<compile_context>
chip_gen: v7x
topology: tpu7x:2x2x1
jax: 0.10.2.dev20260603
libtpu: 0.0.44.dev20260713+nightly
codegen_flags: <defaults>
</compile_context>

<pallas_src>
import jax
import jax.numpy as jnp
from jax import lax
from jax.experimental import pallas as pl
from jax.experimental.layout import Layout, with_layout_constraint
from jax.experimental.pallas import tpu as pltpu
from jax.experimental.pallas import tpu_sc as plsc

SEQ = 200
DIM = 32
BATCH = 4096
VOCAB = 1000000
NW = 32
B_BLK = BATCH // NW
NEB = DIM // 8
SCALE = float(DIM) ** 0.5


NBUF = 4
GDEPTH = 2 * NBUF
NGRP = SEQ // NBUF


def _body(idx_hbm, table_hbm, pos_hbm, out_hbm, idxr_v, idxt_v, pos_v, rows_v, out_t, gsem, osem):
    cidx = lax.axis_index("c")
    sidx = lax.axis_index("s")
    w = sidx * 2 + cidx
    b0 = pl.multiple_of(w * B_BLK, 8)

    pltpu.sync_copy(idx_hbm.at[pl.ds(b0, B_BLK)], idxr_v)
    pltpu.sync_copy(pos_hbm, pos_v)

    iota = jnp.arange(16, dtype=jnp.int32)
    eb_lo = iota // 8
    e8_lo = iota % 8
    eb_hi = (iota + 16) // 8
    e8_hi = (iota + 16) % 8

    def tr_body(s, carry):
        svec = jnp.full((16,), 0, jnp.int32) + s
        for g in range(B_BLK // 16):
            v = plsc.load_gather(idxr_v, [iota + 16 * g, svec])
            idxt_v[s, pl.ds(16 * g, 16)] = v
        return carry

    lax.fori_loop(0, SEQ, tr_body, 0)

    def gather_start(s, slot):
        pltpu.async_copy(table_hbm.at[idxt_v.at[s]], rows_v.at[slot], gsem.at[slot])

    def gather_drain(slot):
        pltpu.make_async_copy(
            table_hbm.at[pl.ds(0, B_BLK)], rows_v.at[slot], gsem.at[slot]
        ).wait()

    def out_group_start(g, par):
        pltpu.async_copy(
            out_t.at[par, :, :, :, pl.ds(0, 128)],
            out_hbm.at[pl.ds(NBUF * g, NBUF), :, w],
            osem.at[par],
        )

    def out_group_drain(par):
        pltpu.make_async_copy(
            out_t.at[par, :, :, :, pl.ds(0, 128)],
            out_hbm.at[pl.ds(0, NBUF), :, 0],
            osem.at[par],
        ).wait()

    for b in range(GDEPTH):
        gather_start(b, b)

    out_group_start(0, 0)
    out_group_start(1, 1)

    def group(g, carry):
        par = lax.rem(g, 2)
        out_group_drain(par)

        for b in range(NBUF):
            s = NBUF * g + b
            slot = NBUF * par + b
            gather_drain(slot)
            p0 = pos_v[s, pl.ds(0, 16)]
            p1 = pos_v[s, pl.ds(16, 16)]
            tile = out_t.at[par, b]
            @plsc.parallel_loop(0, B_BLK, step=1, unroll=8)
            def _(bl):
                blv = jnp.full((16,), 0, jnp.int32) + bl
                v0 = rows_v[slot, bl, pl.ds(0, 16)]
                v1 = rows_v[slot, bl, pl.ds(16, 16)]
                plsc.store_scatter(tile, [eb_lo, e8_lo, blv], v0 * SCALE + p0)
                plsc.store_scatter(tile, [eb_hi, e8_hi, blv], v1 * SCALE + p1)
            @pl.when(g < NGRP - 2)
            def _():
                gather_start(s + GDEPTH, slot)

        out_group_start(g, par)
        return carry

    lax.fori_loop(0, NGRP, group, 0)
    out_group_drain(0)
    out_group_drain(1)


@jax.jit
def kernel(inputs, token_table, pos_table):
    tt = token_table
    mesh = plsc.VectorSubcoreMesh(core_axis_name="c", subcore_axis_name="s")
    out5 = pl.kernel(
        _body,
        out_type=jax.ShapeDtypeStruct((SEQ, NEB, BATCH // 128, 8, 128), jnp.float32),
        mesh=mesh,
        scratch_types=[
            pltpu.VMEM((B_BLK, SEQ), jnp.int32),
            pltpu.VMEM((SEQ, B_BLK), jnp.int32),
            pltpu.VMEM((SEQ, DIM), jnp.float32),
            pltpu.VMEM((GDEPTH, B_BLK, DIM), jnp.float32),
            pltpu.VMEM((2, NBUF, NEB, 8, 129), jnp.float32),
            pltpu.SemaphoreType.DMA((GDEPTH,)),
            pltpu.SemaphoreType.DMA((2,)),
        ],
        compiler_params=pltpu.CompilerParams(
            use_tc_tiling_on_sc=False, needs_layout_passes=False
        ),
    )(inputs, tt, pos_table)
    return out5.transpose(2, 4, 0, 1, 3).reshape(BATCH, SEQ, DIM)

# --- scband reference (transcript-rebuilt; emitter-appended) ---
"""Pipeline reference for scband-positional-embedding-49168785605249 (READ-ONLY COPY).

The authoritative reference and input builder live on the scoring server;
editing this copy changes nothing except your own understanding.
"""

import jax, jax.numpy as jnp
import numpy as np

SEQ_LEN = 200
VOCAB = 1000000
EMBED_DIM = 32
BATCH = 4096

def setup_inputs(seed: int = 0) -> dict:
    key = jax.random.key(seed)
    k1, k2, k3 = jax.random.split(key, 3)
    inputs = jax.random.randint(k1, (BATCH, SEQ_LEN), 0, VOCAB, dtype=jnp.int64 if jax.config.jax_enable_x64 else jnp.int32)
    token_table = jax.random.normal(k2, (VOCAB, EMBED_DIM), dtype=jnp.float32) * 0.02
    pos_table = jax.random.normal(k3, (SEQ_LEN, EMBED_DIM), dtype=jnp.float32) * 0.02
    return {"inputs": inputs, "token_table": token_table, "pos_table": pos_table}

def reference(inputs, token_table, pos_table):
    embed_scale = jnp.sqrt(jnp.asarray(EMBED_DIM, dtype=jnp.float32))
    length = inputs.shape[-1]
    positions = jnp.arange(0, length, 1)
    embedded_tokens = jnp.take(token_table, inputs, axis=0)
    embedded_tokens = embedded_tokens * embed_scale
    embedded_positions = jnp.take(pos_table, positions, axis=0)
    return embedded_tokens + embedded_positions

if __name__ == "__main__":
    import jax
    _d = setup_inputs()
    print(jax.jit(kernel)(*tuple(_d.values())))

</pallas_src>

<mosaic_0001>
#map = affine_map<(d0, d1) -> (0, 0)>
#map1 = affine_map<(d0, d1) -> (0, 0, 0, 0, 0)>
module attributes {stable_mosaic.version = 14 : i64} {
  func.func @_body(%arg0: i32, %arg1: i32, %arg2: memref<4096x200xi32, #tpu.memory_space<hbm>>, %arg3: memref<1000000x32xf32, #tpu.memory_space<hbm>>, %arg4: memref<200x32xf32, #tpu.memory_space<hbm>>, %arg5: memref<200x4x32x8x128xf32, #tpu.memory_space<hbm>>, %arg6: memref<128x200xi32, #tpu.memory_space<vmem>>, %arg7: memref<200x128xi32, #tpu.memory_space<vmem>>, %arg8: memref<200x32xf32, #tpu.memory_space<vmem>>, %arg9: memref<8x128x32xf32, #tpu.memory_space<vmem>>, %arg10: memref<2x4x4x8x129xf32, #tpu.memory_space<vmem>>, %arg11: memref<8x!tpu.dma_semaphore, #tpu.memory_space<semaphore_mem>>, %arg12: memref<2x!tpu.dma_semaphore, #tpu.memory_space<semaphore_mem>>) attributes {dimension_semantics = [#tpu.dimension_semantics<core_parallel>, #tpu.dimension_semantics<subcore_parallel>], iteration_bounds = array<i64: 2, 16>, scalar_prefetch = 0 : i64, scratch_operands = 7 : i64, tpu.core_type = #tpu.core_type<sc_vector_subcore>, window_params = [{transform_indices = #map}, {transform_indices = #map}, {transform_indices = #map}, {transform_indices = #map1}]} {
    %mul3A = arith.constant 2 : i32
    %mul3A_0 = arith.muli %arg1, %mul3A : i32
    %add3A = arith.addi %mul3A_0, %arg0 : i32
    %mul3A_1 = arith.constant 128 : i32
    %mul3A_2 = arith.muli %add3A, %mul3A_1 : i32
    %multiple_of3A = tpu.assume_multiple %mul3A_2, 8 : i32
    "tpu.region"() ({
      %run_scoped3A = tpu.sem_alloc : memref<!tpu.dma_semaphore, #tpu.memory_space<semaphore_mem>>
      %dma_start3A_348 = arith.constant 0 : i32
      %dma_start3A_349 = tpu.memref_slice %arg2[%multiple_of3A, %dma_start3A_348] : memref<4096x200xi32, #tpu.memory_space<hbm>> -> memref<128x200xi32, #tpu.memory_space<hbm>>
      %dma_start3A_350 = arith.constant 0 : i32
      %dma_start3A_351 = tpu.memref_slice %arg2[%multiple_of3A, %dma_start3A_350] : memref<4096x200xi32, #tpu.memory_space<hbm>> -> memref<128x200xi32, #tpu.memory_space<hbm>>
      tpu.enqueue_dma source(%dma_start3A_351 : memref<128x200xi32, #tpu.memory_space<hbm>>) target(%arg6 : memref<128x200xi32, #tpu.memory_space<vmem>>) target_semaphore(%run_scoped3A : memref<!tpu.dma_semaphore, #tpu.memory_space<semaphore_mem>>)
      %dma_wait3A_352 = arith.constant 0 : i32
      %dma_wait3A_353 = tpu.memref_slice %arg2[%multiple_of3A, %dma_wait3A_352] : memref<4096x200xi32, #tpu.memory_space<hbm>> -> memref<128x200xi32, #tpu.memory_space<hbm>>
      %dma_wait3A_354 = arith.constant 0 : i32
      %dma_wait3A_355 = tpu.memref_slice %arg2[%multiple_of3A, %dma_wait3A_354] : memref<4096x200xi32, #tpu.memory_space<hbm>> -> memref<128x200xi32, #tpu.memory_space<hbm>>
      tpu.wait_dma2 semaphore(%run_scoped3A : memref<!tpu.dma_semaphore, #tpu.memory_space<semaphore_mem>>) src(%dma_wait3A_355 : memref<128x200xi32, #tpu.memory_space<hbm>>) dst(%arg6 : memref<128x200xi32, #tpu.memory_space<vmem>>)
      tpu.yield
    }) : () -> ()
    "tpu.region"() ({
      %run_scoped3A = tpu.sem_alloc : memref<!tpu.dma_semaphore, #tpu.memory_space<semaphore_mem>>
      tpu.enqueue_dma source(%arg4 : memref<200x32xf32, #tpu.memory_space<hbm>>) target(%arg8 : memref<200x32xf32, #tpu.memory_space<vmem>>) target_semaphore(%run_scoped3A : memref<!tpu.dma_semaphore, #tpu.memory_space<semaphore_mem>>)
      tpu.wait_dma2 semaphore(%run_scoped3A : memref<!tpu.dma_semaphore, #tpu.memory_space<semaphore_mem>>) src(%arg4 : memref<200x32xf32, #tpu.memory_space<hbm>>) dst(%arg8 : memref<200x32xf32, #tpu.memory_space<vmem>>)
      tpu.yield
    }) : () -> ()
    %iota3A = tpu.iota {dimensions = array<i32: 0>} : vector<16xi32>
    %jit3A = arith.constant 8 : i32
    %div3A = vector.broadcast %jit3A : i32 to vector<16xi32>
    %div3A_3 = arith.divsi %iota3A, %div3A : vector<16xi32>
    %sign3A = arith.constant 0 : i32
    %sign3A_4 = vector.broadcast %sign3A : i32 to vector<16xi32>
    %sign3A_5 = arith.cmpi sgt, %iota3A, %sign3A_4 : vector<16xi32>
    %sign3A_6 = arith.extui %sign3A_5 : vector<16xi1> to vector<16xi32>
    %sign3A_7 = arith.constant 0 : i32
    %sign3A_8 = vector.broadcast %sign3A_7 : i32 to vector<16xi32>
    %sign3A_9 = arith.cmpi slt, %iota3A, %sign3A_8 : vector<16xi32>
    %sign3A_10 = arith.extui %sign3A_9 : vector<16xi1> to vector<16xi32>
    %sign3A_11 = arith.subi %sign3A_6, %sign3A_10 : vector<16xi32>
    %sign3A_12 = arith.constant 0 : i32
    %sign3A_13 = arith.cmpi sgt, %jit3A, %sign3A_12 : i32
    %sign3A_14 = arith.extui %sign3A_13 : i1 to i32
    %sign3A_15 = arith.constant 0 : i32
    %sign3A_16 = arith.cmpi slt, %jit3A, %sign3A_15 : i32
    %sign3A_17 = arith.extui %sign3A_16 : i1 to i32
    %sign3A_18 = arith.subi %sign3A_14, %sign3A_17 : i32
    %ne3A = vector.broadcast %sign3A_18 : i32 to vector<16xi32>
    %ne3A_19 = arith.cmpi ne, %sign3A_11, %ne3A : vector<16xi32>
    %rem3A = vector.broadcast %jit3A : i32 to vector<16xi32>
    %rem3A_20 = arith.remsi %iota3A, %rem3A : vector<16xi32>
    %ne3A_21 = arith.constant 0 : i32
    %ne3A_22 = vector.broadcast %ne3A_21 : i32 to vector<16xi32>
    %ne3A_23 = arith.cmpi ne, %rem3A_20, %ne3A_22 : vector<16xi32>
    %and3A = arith.andi %ne3A_19, %ne3A_23 : vector<16xi1>
    %sub3A = arith.constant 1 : i32
    %sub3A_24 = vector.broadcast %sub3A : i32 to vector<16xi32>
    %sub3A_25 = arith.subi %div3A_3, %sub3A_24 : vector<16xi32>
    %select_n3A = arith.select %and3A, %sub3A_25, %div3A_3 : vector<16xi1>, vector<16xi32>
    %jit3A_26 = arith.constant 8 : i32
    %eq3A = arith.constant 0 : i32
    %eq3A_27 = arith.cmpi eq, %jit3A_26, %eq3A : i32
    %jit3A_28 = arith.constant 1 : i32
    %select_n3A_29 = arith.select %eq3A_27, %jit3A_28, %jit3A_26 : i32
    %rem3A_30 = vector.broadcast %select_n3A_29 : i32 to vector<16xi32>
    %rem3A_31 = arith.remsi %iota3A, %rem3A_30 : vector<16xi32>
    %ne3A_32 = arith.constant 0 : i32
    %ne3A_33 = vector.broadcast %ne3A_32 : i32 to vector<16xi32>
    %ne3A_34 = arith.cmpi ne, %rem3A_31, %ne3A_33 : vector<16xi32>
    %lt3A = arith.constant 0 : i32
    %lt3A_35 = vector.broadcast %lt3A : i32 to vector<16xi32>
    %lt3A_36 = arith.cmpi slt, %rem3A_31, %lt3A_35 : vector<16xi32>
    %lt3A_37 = arith.constant 0 : i32
    %lt3A_38 = arith.cmpi slt, %select_n3A_29, %lt3A_37 : i32
    %ne3A_39 = vector.broadcast %lt3A_38 : i1 to vector<16xi1>
    %ne3A_40 = vector.broadcast %ne3A_39 : vector<16xi1> to vector<16xi1>
    %ne3A_41 = arith.xori %lt3A_36, %ne3A_40 : vector<16xi1>
    %and3A_42 = arith.andi %ne3A_41, %ne3A_34 : vector<16xi1>
    %add3A_43 = vector.broadcast %select_n3A_29 : i32 to vector<16xi32>
    %add3A_44 = arith.addi %rem3A_31, %add3A_43 : vector<16xi32>
    %select_n3A_45 = arith.select %and3A_42, %add3A_44, %rem3A_31 : vector<16xi1>, vector<16xi32>
    %add3A_46 = arith.constant 16 : i32
    %add3A_47 = vector.broadcast %add3A_46 : i32 to vector<16xi32>
    %add3A_48 = arith.addi %iota3A, %add3A_47 : vector<16xi32>
    %jit3A_49 = arith.constant 8 : i32
    %div3A_50 = vector.broadcast %jit3A_49 : i32 to vector<16xi32>
    %div3A_51 = arith.divsi %add3A_48, %div3A_50 : vector<16xi32>
    %sign3A_52 = arith.constant 0 : i32
    %sign3A_53 = vector.broadcast %sign3A_52 : i32 to vector<16xi32>
    %sign3A_54 = arith.cmpi sgt, %add3A_48, %sign3A_53 : vector<16xi32>
    %sign3A_55 = arith.extui %sign3A_54 : vector<16xi1> to vector<16xi32>
    %sign3A_56 = arith.constant 0 : i32
    %sign3A_57 = vector.broadcast %sign3A_56 : i32 to vector<16xi32>
    %sign3A_58 = arith.cmpi slt, %add3A_48, %sign3A_57 : vector<16xi32>
    %sign3A_59 = arith.extui %sign3A_58 : vector<16xi1> to vector<16xi32>
    %sign3A_60 = arith.subi %sign3A_55, %sign3A_59 : vector<16xi32>
    %sign3A_61 = arith.constant 0 : i32
    %sign3A_62 = arith.cmpi sgt, %jit3A_49, %sign3A_61 : i32
    %sign3A_63 = arith.extui %sign3A_62 : i1 to i32
    %sign3A_64 = arith.constant 0 : i32
    %sign3A_65 = arith.cmpi slt, %jit3A_49, %sign3A_64 : i32
    %sign3A_66 = arith.extui %sign3A_65 : i1 to i32
    %sign3A_67 = arith.subi %sign3A_63, %sign3A_66 : i32
    %ne3A_68 = vector.broadcast %sign3A_67 : i32 to vector<16xi32>
    %ne3A_69 = arith.cmpi ne, %sign3A_60, %ne3A_68 : vector<16xi32>
    %rem3A_70 = vector.broadcast %jit3A_49 : i32 to vector<16xi32>
    %rem3A_71 = arith.remsi %add3A_48, %rem3A_70 : vector<16xi32>
    %ne3A_72 = arith.constant 0 : i32
    %ne3A_73 = vector.broadcast %ne3A_72 : i32 to vector<16xi32>
    %ne3A_74 = arith.cmpi ne, %rem3A_71, %ne3A_73 : vector<16xi32>
    %and3A_75 = arith.andi %ne3A_69, %ne3A_74 : vector<16xi1>
    %sub3A_76 = arith.constant 1 : i32
    %sub3A_77 = vector.broadcast %sub3A_76 : i32 to vector<16xi32>
    %sub3A_78 = arith.subi %div3A_51, %sub3A_77 : vector<16xi32>
    %select_n3A_79 = arith.select %and3A_75, %sub3A_78, %div3A_51 : vector<16xi1>, vector<16xi32>
    %add3A_80 = arith.constant 16 : i32
    %add3A_81 = vector.broadcast %add3A_80 : i32 to vector<16xi32>
    %add3A_82 = arith.addi %iota3A, %add3A_81 : vector<16xi32>
    %jit3A_83 = arith.constant 8 : i32
    %eq3A_84 = arith.constant 0 : i32
    %eq3A_85 = arith.cmpi eq, %jit3A_83, %eq3A_84 : i32
    %jit3A_86 = arith.constant 1 : i32
    %select_n3A_87 = arith.select %eq3A_85, %jit3A_86, %jit3A_83 : i32
    %rem3A_88 = vector.broadcast %select_n3A_87 : i32 to vector<16xi32>
    %rem3A_89 = arith.remsi %add3A_82, %rem3A_88 : vector<16xi32>
    %ne3A_90 = arith.constant 0 : i32
    %ne3A_91 = vector.broadcast %ne3A_90 : i32 to vector<16xi32>
    %ne3A_92 = arith.cmpi ne, %rem3A_89, %ne3A_91 : vector<16xi32>
    %lt3A_93 = arith.constant 0 : i32
    %lt3A_94 = vector.broadcast %lt3A_93 : i32 to vector<16xi32>
    %lt3A_95 = arith.cmpi slt, %rem3A_89, %lt3A_94 : vector<16xi32>
    %lt3A_96 = arith.constant 0 : i32
    %lt3A_97 = arith.cmpi slt, %select_n3A_87, %lt3A_96 : i32
    %ne3A_98 = vector.broadcast %lt3A_97 : i1 to vector<16xi1>
    %ne3A_99 = vector.broadcast %ne3A_98 : vector<16xi1> to vector<16xi1>
    %ne3A_100 = arith.xori %lt3A_95, %ne3A_99 : vector<16xi1>
    %and3A_101 = arith.andi %ne3A_100, %ne3A_92 : vector<16xi1>
    %add3A_102 = vector.broadcast %select_n3A_87 : i32 to vector<16xi32>
    %add3A_103 = arith.addi %rem3A_89, %add3A_102 : vector<16xi32>
    %select_n3A_104 = arith.select %and3A_101, %add3A_103, %rem3A_89 : vector<16xi1>, vector<16xi32>
    %scan3A = arith.constant 0 : i32
    %scan3A_105 = arith.constant 0 : i32
    %scan3A_106 = arith.constant 200 : i32
    %scan3A_107 = arith.addi %scan3A_105, %scan3A_106 : i32
    %scan3A_108 = arith.constant 1 : i32
    scf.for %scan3A_348 = %scan3A_105 to %scan3A_107 step %scan3A_108  : i32 {
      %broadcast_in_dim3A = arith.constant 0 : i32
      %broadcast_in_dim3A_349 = vector.broadcast %broadcast_in_dim3A : i32 to vector<16xi32>
      %add3A_350 = vector.broadcast %scan3A_348 : i32 to vector<16xi32>
      %add3A_351 = arith.addi %broadcast_in_dim3A_349, %add3A_350 : vector<16xi32>
      %add3A_352 = arith.constant 0 : i32
      %add3A_353 = vector.broadcast %add3A_352 : i32 to vector<16xi32>
      %add3A_354 = arith.addi %iota3A, %add3A_353 : vector<16xi32>
      %gather3A = tpu.vector_load_idx %arg6[%add3A_354, %add3A_351] : memref<128x200xi32, #tpu.memory_space<vmem>>[vector<16xi32>, vector<16xi32>], vector<16xi32>,
      %swap3A = arith.index_cast %scan3A_348 : i32 to index
      %swap3A_355 = arith.constant 0 : index
      %swap3A_356 = tpu.vector_load %arg7[%swap3A, %swap3A_355] {strides = array<i32>} : memref<200x128xi32, #tpu.memory_space<vmem>>, vector<16xi32>,
      tpu.vector_store %arg7[%swap3A, %swap3A_355], %gather3A {strides = array<i32>} : memref<200x128xi32, #tpu.memory_space<vmem>>, vector<16xi32>,
      %add3A_357 = arith.constant 16 : i32
      %add3A_358 = vector.broadcast %add3A_357 : i32 to vector<16xi32>
      %add3A_359 = arith.addi %iota3A, %add3A_358 : vector<16xi32>
      %gather3A_360 = tpu.vector_load_idx %arg6[%add3A_359, %add3A_351] : memref<128x200xi32, #tpu.memory_space<vmem>>[vector<16xi32>, vector<16xi32>], vector<16xi32>,
      %swap3A_361 = arith.index_cast %scan3A_348 : i32 to index
      %swap3A_362 = arith.constant 16 : index
      %swap3A_363 = tpu.vector_load %arg7[%swap3A_361, %swap3A_362] {strides = array<i32>} : memref<200x128xi32, #tpu.memory_space<vmem>>, vector<16xi32>,
      tpu.vector_store %arg7[%swap3A_361, %swap3A_362], %gather3A_360 {strides = array<i32>} : memref<200x128xi32, #tpu.memory_space<vmem>>, vector<16xi32>,
      %add3A_364 = arith.constant 32 : i32
      %add3A_365 = vector.broadcast %add3A_364 : i32 to vector<16xi32>
      %add3A_366 = arith.addi %iota3A, %add3A_365 : vector<16xi32>
      %gather3A_367 = tpu.vector_load_idx %arg6[%add3A_366, %add3A_351] : memref<128x200xi32, #tpu.memory_space<vmem>>[vector<16xi32>, vector<16xi32>], vector<16xi32>,
      %swap3A_368 = arith.index_cast %scan3A_348 : i32 to index
      %swap3A_369 = arith.constant 32 : index
      %swap3A_370 = tpu.vector_load %arg7[%swap3A_368, %swap3A_369] {strides = array<i32>} : memref<200x128xi32, #tpu.memory_space<vmem>>, vector<16xi32>,
      tpu.vector_store %arg7[%swap3A_368, %swap3A_369], %gather3A_367 {strides = array<i32>} : memref<200x128xi32, #tpu.memory_space<vmem>>, vector<16xi32>,
      %add3A_371 = arith.constant 48 : i32
      %add3A_372 = vector.broadcast %add3A_371 : i32 to vector<16xi32>
      %add3A_373 = arith.addi %iota3A, %add3A_372 : vector<16xi32>
      %gather3A_374 = tpu.vector_load_idx %arg6[%add3A_373, %add3A_351] : memref<128x200xi32, #tpu.memory_space<vmem>>[vector<16xi32>, vector<16xi32>], vector<16xi32>,
      %swap3A_375 = arith.index_cast %scan3A_348 : i32 to index
      %swap3A_376 = arith.constant 48 : index
      %swap3A_377 = tpu.vector_load %arg7[%swap3A_375, %swap3A_376] {strides = array<i32>} : memref<200x128xi32, #tpu.memory_space<vmem>>, vector<16xi32>,
      tpu.vector_store %arg7[%swap3A_375, %swap3A_376], %gather3A_374 {strides = array<i32>} : memref<200x128xi32, #tpu.memory_space<vmem>>, vector<16xi32>,
      %add3A_378 = arith.constant 64 : i32
      %add3A_379 = vector.broadcast %add3A_378 : i32 to vector<16xi32>
      %add3A_380 = arith.addi %iota3A, %add3A_379 : vector<16xi32>
      %gather3A_381 = tpu.vector_load_idx %arg6[%add3A_380, %add3A_351] : memref<128x200xi32, #tpu.memory_space<vmem>>[vector<16xi32>, vector<16xi32>], vector<16xi32>,
      %swap3A_382 = arith.index_cast %scan3A_348 : i32 to index
      %swap3A_383 = arith.constant 64 : index
      %swap3A_384 = tpu.vector_load %arg7[%swap3A_382, %swap3A_383] {strides = array<i32>} : memref<200x128xi32, #tpu.memory_space<vmem>>, vector<16xi32>,
      tpu.vector_store %arg7[%swap3A_382, %swap3A_383], %gather3A_381 {strides = array<i32>} : memref<200x128xi32, #tpu.memory_space<vmem>>, vector<16xi32>,
      %add3A_385 = arith.constant 80 : i32
      %add3A_386 = vector.broadcast %add3A_385 : i32 to vector<16xi32>
      %add3A_387 = arith.addi %iota3A, %add3A_386 : vector<16xi32>
      %gather3A_388 = tpu.vector_load_idx %arg6[%add3A_387, %add3A_351] : memref<128x200xi32, #tpu.memory_space<vmem>>[vector<16xi32>, vector<16xi32>], vector<16xi32>,
      %swap3A_389 = arith.index_cast %scan3A_348 : i32 to index
      %swap3A_390 = arith.constant 80 : index
      %swap3A_391 = tpu.vector_load %arg7[%swap3A_389, %swap3A_390] {strides = array<i32>} : memref<200x128xi32, #tpu.memory_space<vmem>>, vector<16xi32>,
      tpu.vector_store %arg7[%swap3A_389, %swap3A_390], %gather3A_388 {strides = array<i32>} : memref<200x128xi32, #tpu.memory_space<vmem>>, vector<16xi32>,
      %add3A_392 = arith.constant 96 : i32
      %add3A_393 = vector.broadcast %add3A_392 : i32 to vector<16xi32>
      %add3A_394 = arith.addi %iota3A, %add3A_393 : vector<16xi32>
      %gather3A_395 = tpu.vector_load_idx %arg6[%add3A_394, %add3A_351] : memref<128x200xi32, #tpu.memory_space<vmem>>[vector<16xi32>, vector<16xi32>], vector<16xi32>,
      %swap3A_396 = arith.index_cast %scan3A_348 : i32 to index
      %swap3A_397 = arith.constant 96 : index
      %swap3A_398 = tpu.vector_load %arg7[%swap3A_396, %swap3A_397] {strides = array<i32>} : memref<200x128xi32, #tpu.memory_space<vmem>>, vector<16xi32>,
      tpu.vector_store %arg7[%swap3A_396, %swap3A_397], %gather3A_395 {strides = array<i32>} : memref<200x128xi32, #tpu.memory_space<vmem>>, vector<16xi32>,
      %add3A_399 = arith.constant 112 : i32
      %add3A_400 = vector.broadcast %add3A_399 : i32 to vector<16xi32>
      %add3A_401 = arith.addi %iota3A, %add3A_400 : vector<16xi32>
      %gather3A_402 = tpu.vector_load_idx %arg6[%add3A_401, %add3A_351] : memref<128x200xi32, #tpu.memory_space<vmem>>[vector<16xi32>, vector<16xi32>], vector<16xi32>,
      %swap3A_403 = arith.index_cast %scan3A_348 : i32 to index
      %swap3A_404 = arith.constant 112 : index
      %swap3A_405 = tpu.vector_load %arg7[%swap3A_403, %swap3A_404] {strides = array<i32>} : memref<200x128xi32, #tpu.memory_space<vmem>>, vector<16xi32>,
      tpu.vector_store %arg7[%swap3A_403, %swap3A_404], %gather3A_402 {strides = array<i32>} : memref<200x128xi32, #tpu.memory_space<vmem>>, vector<16xi32>,
    }
    %scan3A_109 = arith.constant 200 : i32
    %dma_start3A = arith.constant 0 : i32
    %dma_start3A_110 = arith.constant 0 : i32
    %dma_start3A_111 = arith.constant 0 : i32
    %dma_start3A_112 = arith.constant 0 : i32
    %dma_start3A_113 = arith.constant 0 : i32
    %dma_start3A_114 = tpu.memref_slice %arg9[%dma_start3A_110, %dma_start3A_112, %dma_start3A_113] : memref<8x128x32xf32, #tpu.memory_space<vmem>> -> memref<1x128x32xf32, #tpu.memory_space<vmem>>
    %dma_start3A_115 = tpu.memref_squeeze %dma_start3A_114 : memref<1x128x32xf32, #tpu.memory_space<vmem>> -> memref<128x32xf32, #tpu.memory_space<vmem>>
    %dma_start3A_116 = arith.constant 0 : i32
    %dma_start3A_117 = tpu.memref_slice %arg7[%dma_start3A, %dma_start3A_116] : memref<200x128xi32, #tpu.memory_space<vmem>> -> memref<1x128xi32, #tpu.memory_space<vmem>>
    %dma_start3A_118 = tpu.memref_squeeze %dma_start3A_117 : memref<1x128xi32, #tpu.memory_space<vmem>> -> memref<128xi32, #tpu.memory_space<vmem>>
    %dma_start3A_119 = arith.constant 0 : i32
    %dma_start3A_120 = arith.constant 0 : i32
    %dma_start3A_121 = tpu.memref_slice %arg3[%dma_start3A_119, %dma_start3A_120] : memref<1000000x32xf32, #tpu.memory_space<hbm>> -> memref<1000000x32xf32, #tpu.memory_space<hbm>>
    %dma_start3A_122 = tpu.memref_slice %arg11[%dma_start3A_111] : memref<8x!tpu.dma_semaphore, #tpu.memory_space<semaphore_mem>> -> memref<1x!tpu.dma_semaphore, #tpu.memory_space<semaphore_mem>>
    %dma_start3A_123 = tpu.memref_squeeze %dma_start3A_122 : memref<1x!tpu.dma_semaphore, #tpu.memory_space<semaphore_mem>> -> memref<!tpu.dma_semaphore, #tpu.memory_space<semaphore_mem>>
    tpu.enqueue_indirect_dma source(%dma_start3A_121 : memref<1000000x32xf32, #tpu.memory_space<hbm>>) target(%dma_start3A_115 : memref<128x32xf32, #tpu.memory_space<vmem>>) offsets(%dma_start3A_118 : memref<128xi32, #tpu.memory_space<vmem>>) semaphore(%dma_start3A_123 : memref<!tpu.dma_semaphore, #tpu.memory_space<semaphore_mem>>)
    %dma_start3A_124 = arith.constant 1 : i32
    %dma_start3A_125 = arith.constant 1 : i32
    %dma_start3A_126 = arith.constant 1 : i32
    %dma_start3A_127 = arith.constant 0 : i32
    %dma_start3A_128 = arith.constant 0 : i32
    %dma_start3A_129 = tpu.memref_slice %arg9[%dma_start3A_125, %dma_start3A_127, %dma_start3A_128] : memref<8x128x32xf32, #tpu.memory_space<vmem>> -> memref<1x128x32xf32, #tpu.memory_space<vmem>>
    %dma_start3A_130 = tpu.memref_squeeze %dma_start3A_129 : memref<1x128x32xf32, #tpu.memory_space<vmem>> -> memref<128x32xf32, #tpu.memory_space<vmem>>
    %dma_start3A_131 = arith.constant 0 : i32
    %dma_start3A_132 = tpu.memref_slice %arg7[%dma_start3A_124, %dma_start3A_131] : memref<200x128xi32, #tpu.memory_space<vmem>> -> memref<1x128xi32, #tpu.memory_space<vmem>>
    %dma_start3A_133 = tpu.memref_squeeze %dma_start3A_132 : memref<1x128xi32, #tpu.memory_space<vmem>> -> memref<128xi32, #tpu.memory_space<vmem>>
    %dma_start3A_134 = arith.constant 0 : i32
    %dma_start3A_135 = arith.constant 0 : i32
    %dma_start3A_136 = tpu.memref_slice %arg3[%dma_start3A_134, %dma_start3A_135] : memref<1000000x32xf32, #tpu.memory_space<hbm>> -> memref<1000000x32xf32, #tpu.memory_space<hbm>>
    %dma_start3A_137 = tpu.memref_slice %arg11[%dma_start3A_126] : memref<8x!tpu.dma_semaphore, #tpu.memory_space<semaphore_mem>> -> memref<1x!tpu.dma_semaphore, #tpu.memory_space<semaphore_mem>>
    %dma_start3A_138 = tpu.memref_squeeze %dma_start3A_137 : memref<1x!tpu.dma_semaphore, #tpu.memory_space<semaphore_mem>> -> memref<!tpu.dma_semaphore, #tpu.memory_space<semaphore_mem>>
    tpu.enqueue_indirect_dma source(%dma_start3A_136 : memref<1000000x32xf32, #tpu.memory_space<hbm>>) target(%dma_start3A_130 : memref<128x32xf32, #tpu.memory_space<vmem>>) offsets(%dma_start3A_133 : memref<128xi32, #tpu.memory_space<vmem>>) semaphore(%dma_start3A_138 : memref<!tpu.dma_semaphore, #tpu.memory_space<semaphore_mem>>)
    %dma_start3A_139 = arith.constant 2 : i32
    %dma_start3A_140 = arith.constant 2 : i32
    %dma_start3A_141 = arith.constant 2 : i32
    %dma_start3A_142 = arith.constant 0 : i32
    %dma_start3A_143 = arith.constant 0 : i32
    %dma_start3A_144 = tpu.memref_slice %arg9[%dma_start3A_140, %dma_start3A_142, %dma_start3A_143] : memref<8x128x32xf32, #tpu.memory_space<vmem>> -> memref<1x128x32xf32, #tpu.memory_space<vmem>>
    %dma_start3A_145 = tpu.memref_squeeze %dma_start3A_144 : memref<1x128x32xf32, #tpu.memory_space<vmem>> -> memref<128x32xf32, #tpu.memory_space<vmem>>
    %dma_start3A_146 = arith.constant 0 : i32
    %dma_start3A_147 = tpu.memref_slice %arg7[%dma_start3A_139, %dma_start3A_146] : memref<200x128xi32, #tpu.memory_space<vmem>> -> memref<1x128xi32, #tpu.memory_space<vmem>>
    %dma_start3A_148 = tpu.memref_squeeze %dma_start3A_147 : memref<1x128xi32, #tpu.memory_space<vmem>> -> memref<128xi32, #tpu.memory_space<vmem>>
    %dma_start3A_149 = arith.constant 0 : i32
    %dma_start3A_150 = arith.constant 0 : i32
    %dma_start3A_151 = tpu.memref_slice %arg3[%dma_start3A_149, %dma_start3A_150] : memref<1000000x32xf32, #tpu.memory_space<hbm>> -> memref<1000000x32xf32, #tpu.memory_space<hbm>>
    %dma_start3A_152 = tpu.memref_slice %arg11[%dma_start3A_141] : memref<8x!tpu.dma_semaphore, #tpu.memory_space<semaphore_mem>> -> memref<1x!tpu.dma_semaphore, #tpu.memory_space<semaphore_mem>>
    %dma_start3A_153 = tpu.memref_squeeze %dma_start3A_152 : memref<1x!tpu.dma_semaphore, #tpu.memory_space<semaphore_mem>> -> memref<!tpu.dma_semaphore, #tpu.memory_space<semaphore_mem>>
    tpu.enqueue_indirect_dma source(%dma_start3A_151 : memref<1000000x32xf32, #tpu.memory_space<hbm>>) target(%dma_start3A_145 : memref<128x32xf32, #tpu.memory_space<vmem>>) offsets(%dma_start3A_148 : memref<128xi32, #tpu.memory_space<vmem>>) semaphore(%dma_start3A_153 : memref<!tpu.dma_semaphore, #tpu.memory_space<semaphore_mem>>)
    %dma_start3A_154 = arith.constant 3 : i32
    %dma_start3A_155 = arith.constant 3 : i32
    %dma_start3A_156 = arith.constant 3 : i32
    %dma_start3A_157 = arith.constant 0 : i32
    %dma_start3A_158 = arith.constant 0 : i32
    %dma_start3A_159 = tpu.memref_slice %arg9[%dma_start3A_155, %dma_start3A_157, %dma_start3A_158] : memref<8x128x32xf32, #tpu.memory_space<vmem>> -> memref<1x128x32xf32, #tpu.memory_space<vmem>>
    %dma_start3A_160 = tpu.memref_squeeze %dma_start3A_159 : memref<1x128x32xf32, #tpu.memory_space<vmem>> -> memref<128x32xf32, #tpu.memory_space<vmem>>
    %dma_start3A_161 = arith.constant 0 : i32
    %dma_start3A_162 = tpu.memref_slice %arg7[%dma_start3A_154, %dma_start3A_161] : memref<200x128xi32, #tpu.memory_space<vmem>> -> memref<1x128xi32, #tpu.memory_space<vmem>>
    %dma_start3A_163 = tpu.memref_squeeze %dma_start3A_162 : memref<1x128xi32, #tpu.memory_space<vmem>> -> memref<128xi32, #tpu.memory_space<vmem>>
    %dma_start3A_164 = arith.constant 0 : i32
    %dma_start3A_165 = arith.constant 0 : i32
    %dma_start3A_166 = tpu.memref_slice %arg3[%dma_start3A_164, %dma_start3A_165] : memref<1000000x32xf32, #tpu.memory_space<hbm>> -> memref<1000000x32xf32, #tpu.memory_space<hbm>>
    %dma_start3A_167 = tpu.memref_slice %arg11[%dma_start3A_156] : memref<8x!tpu.dma_semaphore, #tpu.memory_space<semaphore_mem>> -> memref<1x!tpu.dma_semaphore, #tpu.memory_space<semaphore_mem>>
    %dma_start3A_168 = tpu.memref_squeeze %dma_start3A_167 : memref<1x!tpu.dma_semaphore, #tpu.memory_space<semaphore_mem>> -> memref<!tpu.dma_semaphore, #tpu.memory_space<semaphore_mem>>
    tpu.enqueue_indirect_dma source(%dma_start3A_166 : memref<1000000x32xf32, #tpu.memory_space<hbm>>) target(%dma_start3A_160 : memref<128x32xf32, #tpu.memory_space<vmem>>) offsets(%dma_start3A_163 : memref<128xi32, #tpu.memory_space<vmem>>) semaphore(%dma_start3A_168 : memref<!tpu.dma_semaphore, #tpu.memory_space<semaphore_mem>>)
    %dma_start3A_169 = arith.constant 4 : i32
    %dma_start3A_170 = arith.constant 4 : i32
    %dma_start3A_171 = arith.constant 4 : i32
    %dma_start3A_172 = arith.constant 0 : i32
    %dma_start3A_173 = arith.constant 0 : i32
    %dma_start3A_174 = tpu.memref_slice %arg9[%dma_start3A_170, %dma_start3A_172, %dma_start3A_173] : memref<8x128x32xf32, #tpu.memory_space<vmem>> -> memref<1x128x32xf32, #tpu.memory_space<vmem>>
    %dma_start3A_175 = tpu.memref_squeeze %dma_start3A_174 : memref<1x128x32xf32, #tpu.memory_space<vmem>> -> memref<128x32xf32, #tpu.memory_space<vmem>>
    %dma_start3A_176 = arith.constant 0 : i32
    %dma_start3A_177 = tpu.memref_slice %arg7[%dma_start3A_169, %dma_start3A_176] : memref<200x128xi32, #tpu.memory_space<vmem>> -> memref<1x128xi32, #tpu.memory_space<vmem>>
    %dma_start3A_178 = tpu.memref_squeeze %dma_start3A_177 : memref<1x128xi32, #tpu.memory_space<vmem>> -> memref<128xi32, #tpu.memory_space<vmem>>
    %dma_start3A_179 = arith.constant 0 : i32
    %dma_start3A_180 = arith.constant 0 : i32
    %dma_start3A_181 = tpu.memref_slice %arg3[%dma_start3A_179, %dma_start3A_180] : memref<1000000x32xf32, #tpu.memory_space<hbm>> -> memref<1000000x32xf32, #tpu.memory_space<hbm>>
    %dma_start3A_182 = tpu.memref_slice %arg11[%dma_start3A_171] : memref<8x!tpu.dma_semaphore, #tpu.memory_space<semaphore_mem>> -> memref<1x!tpu.dma_semaphore, #tpu.memory_space<semaphore_mem>>
    %dma_start3A_183 = tpu.memref_squeeze %dma_start3A_182 : memref<1x!tpu.dma_semaphore, #tpu.memory_space<semaphore_mem>> -> memref<!tpu.dma_semaphore, #tpu.memory_space<semaphore_mem>>
    tpu.enqueue_indirect_dma source(%dma_start3A_181 : memref<1000000x32xf32, #tpu.memory_space<hbm>>) target(%dma_start3A_175 : memref<128x32xf32, #tpu.memory_space<vmem>>) offsets(%dma_start3A_178 : memref<128xi32, #tpu.memory_space<vmem>>) semaphore(%dma_start3A_183 : memref<!tpu.dma_semaphore, #tpu.memory_space<semaphore_mem>>)
    %dma_start3A_184 = arith.constant 5 : i32
    %dma_start3A_185 = arith.constant 5 : i32
    %dma_start3A_186 = arith.constant 5 : i32
    %dma_start3A_187 = arith.constant 0 : i32
    %dma_start3A_188 = arith.constant 0 : i32
    %dma_start3A_189 = tpu.memref_slice %arg9[%dma_start3A_185, %dma_start3A_187, %dma_start3A_188] : memref<8x128x32xf32, #tpu.memory_space<vmem>> -> memref<1x128x32xf32, #tpu.memory_space<vmem>>
    %dma_start3A_190 = tpu.memref_squeeze %dma_start3A_189 : memref<1x128x32xf32, #tpu.memory_space<vmem>> -> memref<128x32xf32, #tpu.memory_space<vmem>>
    %dma_start3A_191 = arith.constant 0 : i32
    %dma_start3A_192 = tpu.memref_slice %arg7[%dma_start3A_184, %dma_start3A_191] : memref<200x128xi32, #tpu.memory_space<vmem>> -> memref<1x128xi32, #tpu.memory_space<vmem>>
    %dma_start3A_193 = tpu.memref_squeeze %dma_start3A_192 : memref<1x128xi32, #tpu.memory_space<vmem>> -> memref<128xi32, #tpu.memory_space<vmem>>
    %dma_start3A_194 = arith.constant 0 : i32
    %dma_start3A_195 = arith.constant 0 : i32
    %dma_start3A_196 = tpu.memref_slice %arg3[%dma_start3A_194, %dma_start3A_195] : memref<1000000x32xf32, #tpu.memory_space<hbm>> -> memref<1000000x32xf32, #tpu.memory_space<hbm>>
    %dma_start3A_197 = tpu.memref_slice %arg11[%dma_start3A_186] : memref<8x!tpu.dma_semaphore, #tpu.memory_space<semaphore_mem>> -> memref<1x!tpu.dma_semaphore, #tpu.memory_space<semaphore_mem>>
    %dma_start3A_198 = tpu.memref_squeeze %dma_start3A_197 : memref<1x!tpu.dma_semaphore, #tpu.memory_space<semaphore_mem>> -> memref<!tpu.dma_semaphore, #tpu.memory_space<semaphore_mem>>
    tpu.enqueue_indirect_dma source(%dma_start3A_196 : memref<1000000x32xf32, #tpu.memory_space<hbm>>) target(%dma_start3A_190 : memref<128x32xf32, #tpu.memory_space<vmem>>) offsets(%dma_start3A_193 : memref<128xi32, #tpu.memory_space<vmem>>) semaphore(%dma_start3A_198 : memref<!tpu.dma_semaphore, #tpu.memory_space<semaphore_mem>>)
    %dma_start3A_199 = arith.constant 6 : i32
    %dma_start3A_200 = arith.constant 6 : i32
    %dma_start3A_201 = arith.constant 6 : i32
    %dma_start3A_202 = arith.constant 0 : i32
    %dma_start3A_203 = arith.constant 0 : i32
    %dma_start3A_204 = tpu.memref_slice %arg9[%dma_start3A_200, %dma_start3A_202, %dma_start3A_203] : memref<8x128x32xf32, #tpu.memory_space<vmem>> -> memref<1x128x32xf32, #tpu.memory_space<vmem>>
    %dma_start3A_205 = tpu.memref_squeeze %dma_start3A_204 : memref<1x128x32xf32, #tpu.memory_space<vmem>> -> memref<128x32xf32, #tpu.memory_space<vmem>>
    %dma_start3A_206 = arith.constant 0 : i32
    %dma_start3A_207 = tpu.memref_slice %arg7[%dma_start3A_199, %dma_start3A_206] : memref<200x128xi32, #tpu.memory_space<vmem>> -> memref<1x128xi32, #tpu.memory_space<vmem>>
    %dma_start3A_208 = tpu.memref_squeeze %dma_start3A_207 : memref<1x128xi32, #tpu.memory_space<vmem>> -> memref<128xi32, #tpu.memory_space<vmem>>
    %dma_start3A_209 = arith.constant 0 : i32
    %dma_start3A_210 = arith.constant 0 : i32
    %dma_start3A_211 = tpu.memref_slice %arg3[%dma_start3A_209, %dma_start3A_210] : memref<1000000x32xf32, #tpu.memory_space<hbm>> -> memref<1000000x32xf32, #tpu.memory_space<hbm>>
    %dma_start3A_212 = tpu.memref_slice %arg11[%dma_start3A_201] : memref<8x!tpu.dma_semaphore, #tpu.memory_space<semaphore_mem>> -> memref<1x!tpu.dma_semaphore, #tpu.memory_space<semaphore_mem>>
    %dma_start3A_213 = tpu.memref_squeeze %dma_start3A_212 : memref<1x!tpu.dma_semaphore, #tpu.memory_space<semaphore_mem>> -> memref<!tpu.dma_semaphore, #tpu.memory_space<semaphore_mem>>
    tpu.enqueue_indirect_dma source(%dma_start3A_211 : memref<1000000x32xf32, #tpu.memory_space<hbm>>) target(%dma_start3A_205 : memref<128x32xf32, #tpu.memory_space<vmem>>) offsets(%dma_start3A_208 : memref<128xi32, #tpu.memory_space<vmem>>) semaphore(%dma_start3A_213 : memref<!tpu.dma_semaphore, #tpu.memory_space<semaphore_mem>>)
    %dma_start3A_214 = arith.constant 7 : i32
    %dma_start3A_215 = arith.constant 7 : i32
    %dma_start3A_216 = arith.constant 7 : i32
    %dma_start3A_217 = arith.constant 0 : i32
    %dma_start3A_218 = arith.constant 0 : i32
    %dma_start3A_219 = tpu.memref_slice %arg9[%dma_start3A_215, %dma_start3A_217, %dma_start3A_218] : memref<8x128x32xf32, #tpu.memory_space<vmem>> -> memref<1x128x32xf32, #tpu.memory_space<vmem>>
    %dma_start3A_220 = tpu.memref_squeeze %dma_start3A_219 : memref<1x128x32xf32, #tpu.memory_space<vmem>> -> memref<128x32xf32, #tpu.memory_space<vmem>>
    %dma_start3A_221 = arith.constant 0 : i32
    %dma_start3A_222 = tpu.memref_slice %arg7[%dma_start3A_214, %dma_start3A_221] : memref<200x128xi32, #tpu.memory_space<vmem>> -> memref<1x128xi32, #tpu.memory_space<vmem>>
    %dma_start3A_223 = tpu.memref_squeeze %dma_start3A_222 : memref<1x128xi32, #tpu.memory_space<vmem>> -> memref<128xi32, #tpu.memory_space<vmem>>
    %dma_start3A_224 = arith.constant 0 : i32
    %dma_start3A_225 = arith.constant 0 : i32
    %dma_start3A_226 = tpu.memref_slice %arg3[%dma_start3A_224, %dma_start3A_225] : memref<1000000x32xf32, #tpu.memory_space<hbm>> -> memref<1000000x32xf32, #tpu.memory_space<hbm>>
    %dma_start3A_227 = tpu.memref_slice %arg11[%dma_start3A_216] : memref<8x!tpu.dma_semaphore, #tpu.memory_space<semaphore_mem>> -> memref<1x!tpu.dma_semaphore, #tpu.memory_space<semaphore_mem>>
    %dma_start3A_228 = tpu.memref_squeeze %dma_start3A_227 : memref<1x!tpu.dma_semaphore, #tpu.memory_space<semaphore_mem>> -> memref<!tpu.dma_semaphore, #tpu.memory_space<semaphore_mem>>
    tpu.enqueue_indirect_dma source(%dma_start3A_226 : memref<1000000x32xf32, #tpu.memory_space<hbm>>) target(%dma_start3A_220 : memref<128x32xf32, #tpu.memory_space<vmem>>) offsets(%dma_start3A_223 : memref<128xi32, #tpu.memory_space<vmem>>) semaphore(%dma_start3A_228 : memref<!tpu.dma_semaphore, #tpu.memory_space<semaphore_mem>>)
    %dma_start3A_229 = arith.constant 0 : i32
    %dma_start3A_230 = arith.constant 0 : i32
    %dma_start3A_231 = arith.constant 0 : i32
    %dma_start3A_232 = arith.constant 0 : i32
    %dma_start3A_233 = arith.constant 0 : i32
    %dma_start3A_234 = arith.constant 0 : i32
    %dma_start3A_235 = tpu.memref_slice %arg10[%dma_start3A_229, %dma_start3A_231, %dma_start3A_232, %dma_start3A_233, %dma_start3A_234] : memref<2x4x4x8x129xf32, #tpu.memory_space<vmem>> -> memref<1x4x4x8x128xf32, #tpu.memory_space<vmem>>
    %dma_start3A_236 = tpu.memref_squeeze %dma_start3A_235 : memref<1x4x4x8x128xf32, #tpu.memory_space<vmem>> -> memref<4x4x8x128xf32, #tpu.memory_space<vmem>>
    %dma_start3A_237 = arith.constant 0 : i32
    %dma_start3A_238 = arith.constant 0 : i32
    %dma_start3A_239 = arith.constant 0 : i32
    %dma_start3A_240 = arith.constant 0 : i32
    %dma_start3A_241 = tpu.memref_slice %arg5[%dma_start3A_237, %dma_start3A_238, %add3A, %dma_start3A_239, %dma_start3A_240] : memref<200x4x32x8x128xf32, #tpu.memory_space<hbm>> -> memref<4x4x1x8x128xf32, #tpu.memory_space<hbm>>
    %dma_start3A_242 = tpu.memref_squeeze %dma_start3A_241 : memref<4x4x1x8x128xf32, #tpu.memory_space<hbm>> -> memref<4x4x8x128xf32, #tpu.memory_space<hbm>>
    %dma_start3A_243 = tpu.memref_slice %arg12[%dma_start3A_230] : memref<2x!tpu.dma_semaphore, #tpu.memory_space<semaphore_mem>> -> memref<1x!tpu.dma_semaphore, #tpu.memory_space<semaphore_mem>>
    %dma_start3A_244 = tpu.memref_squeeze %dma_start3A_243 : memref<1x!tpu.dma_semaphore, #tpu.memory_space<semaphore_mem>> -> memref<!tpu.dma_semaphore, #tpu.memory_space<semaphore_mem>>
    %dma_start3A_245 = arith.constant 0 : i32
    %dma_start3A_246 = arith.constant 0 : i32
    %dma_start3A_247 = arith.constant 0 : i32
    %dma_start3A_248 = arith.constant 0 : i32
    %dma_start3A_249 = tpu.memref_slice %arg5[%dma_start3A_245, %dma_start3A_246, %add3A, %dma_start3A_247, %dma_start3A_248] : memref<200x4x32x8x128xf32, #tpu.memory_space<hbm>> -> memref<4x4x1x8x128xf32, #tpu.memory_space<hbm>>
    %dma_start3A_250 = tpu.memref_squeeze %dma_start3A_249 : memref<4x4x1x8x128xf32, #tpu.memory_space<hbm>> -> memref<4x4x8x128xf32, #tpu.memory_space<hbm>>
    %dma_start3A_251 = arith.constant 0 : i32
    %dma_start3A_252 = arith.constant 0 : i32
    %dma_start3A_253 = arith.constant 0 : i32
    %dma_start3A_254 = arith.constant 0 : i32
    %dma_start3A_255 = tpu.memref_slice %arg10[%dma_start3A_229, %dma_start3A_251, %dma_start3A_252, %dma_start3A_253, %dma_start3A_254] : memref<2x4x4x8x129xf32, #tpu.memory_space<vmem>> -> memref<1x4x4x8x128xf32, #tpu.memory_space<vmem>>
    %dma_start3A_256 = tpu.memref_squeeze %dma_start3A_255 : memref<1x4x4x8x128xf32, #tpu.memory_space<vmem>> -> memref<4x4x8x128xf32, #tpu.memory_space<vmem>>
    tpu.enqueue_dma source(%dma_start3A_256 : memref<4x4x8x128xf32, #tpu.memory_space<vmem>>) target(%dma_start3A_250 : memref<4x4x8x128xf32, #tpu.memory_space<hbm>>) target_semaphore(%dma_start3A_244 : memref<!tpu.dma_semaphore, #tpu.memory_space<semaphore_mem>>)
    %dma_start3A_257 = arith.constant 1 : i32
    %dma_start3A_258 = arith.constant 1 : i32
    %dma_start3A_259 = arith.constant 0 : i32
    %dma_start3A_260 = arith.constant 0 : i32
    %dma_start3A_261 = arith.constant 0 : i32
    %dma_start3A_262 = arith.constant 0 : i32
    %dma_start3A_263 = tpu.memref_slice %arg10[%dma_start3A_257, %dma_start3A_259, %dma_start3A_260, %dma_start3A_261, %dma_start3A_262] : memref<2x4x4x8x129xf32, #tpu.memory_space<vmem>> -> memref<1x4x4x8x128xf32, #tpu.memory_space<vmem>>
    %dma_start3A_264 = tpu.memref_squeeze %dma_start3A_263 : memref<1x4x4x8x128xf32, #tpu.memory_space<vmem>> -> memref<4x4x8x128xf32, #tpu.memory_space<vmem>>
    %dma_start3A_265 = arith.constant 4 : i32
    %dma_start3A_266 = arith.constant 0 : i32
    %dma_start3A_267 = arith.constant 0 : i32
    %dma_start3A_268 = arith.constant 0 : i32
    %dma_start3A_269 = tpu.memref_slice %arg5[%dma_start3A_265, %dma_start3A_266, %add3A, %dma_start3A_267, %dma_start3A_268] : memref<200x4x32x8x128xf32, #tpu.memory_space<hbm>> -> memref<4x4x1x8x128xf32, #tpu.memory_space<hbm>>
    %dma_start3A_270 = tpu.memref_squeeze %dma_start3A_269 : memref<4x4x1x8x128xf32, #tpu.memory_space<hbm>> -> memref<4x4x8x128xf32, #tpu.memory_space<hbm>>
    %dma_start3A_271 = tpu.memref_slice %arg12[%dma_start3A_258] : memref<2x!tpu.dma_semaphore, #tpu.memory_space<semaphore_mem>> -> memref<1x!tpu.dma_semaphore, #tpu.memory_space<semaphore_mem>>
    %dma_start3A_272 = tpu.memref_squeeze %dma_start3A_271 : memref<1x!tpu.dma_semaphore, #tpu.memory_space<semaphore_mem>> -> memref<!tpu.dma_semaphore, #tpu.memory_space<semaphore_mem>>
    %dma_start3A_273 = arith.constant 4 : i32
    %dma_start3A_274 = arith.constant 0 : i32
    %dma_start3A_275 = arith.constant 0 : i32
    %dma_start3A_276 = arith.constant 0 : i32
    %dma_start3A_277 = tpu.memref_slice %arg5[%dma_start3A_273, %dma_start3A_274, %add3A, %dma_start3A_275, %dma_start3A_276] : memref<200x4x32x8x128xf32, #tpu.memory_space<hbm>> -> memref<4x4x1x8x128xf32, #tpu.memory_space<hbm>>
    %dma_start3A_278 = tpu.memref_squeeze %dma_start3A_277 : memref<4x4x1x8x128xf32, #tpu.memory_space<hbm>> -> memref<4x4x8x128xf32, #tpu.memory_space<hbm>>
    %dma_start3A_279 = arith.constant 0 : i32
    %dma_start3A_280 = arith.constant 0 : i32
    %dma_start3A_281 = arith.constant 0 : i32
    %dma_start3A_282 = arith.constant 0 : i32
    %dma_start3A_283 = tpu.memref_slice %arg10[%dma_start3A_257, %dma_start3A_279, %dma_start3A_280, %dma_start3A_281, %dma_start3A_282] : memref<2x4x4x8x129xf32, #tpu.memory_space<vmem>> -> memref<1x4x4x8x128xf32, #tpu.memory_space<vmem>>
    %dma_start3A_284 = tpu.memref_squeeze %dma_start3A_283 : memref<1x4x4x8x128xf32, #tpu.memory_space<vmem>> -> memref<4x4x8x128xf32, #tpu.memory_space<vmem>>
    tpu.enqueue_dma source(%dma_start3A_284 : memref<4x4x8x128xf32, #tpu.memory_space<vmem>>) target(%dma_start3A_278 : memref<4x4x8x128xf32, #tpu.memory_space<hbm>>) target_semaphore(%dma_start3A_272 : memref<!tpu.dma_semaphore, #tpu.memory_space<semaphore_mem>>)
    %scan3A_285 = arith.constant 0 : i32
    %scan3A_286 = arith.constant 0 : i32
    %scan3A_287 = arith.constant 50 : i32
    %scan3A_288 = arith.addi %scan3A_286, %scan3A_287 : i32
    %scan3A_289 = arith.constant 1 : i32
    scf.for %scan3A_348 = %scan3A_286 to %scan3A_288 step %scan3A_289  : i32 {
      %rem3A_349 = arith.constant 2 : i32
      %rem3A_350 = arith.remsi %scan3A_348, %rem3A_349 : i32
      %dma_wait3A_351 = arith.constant 0 : i32
      %dma_wait3A_352 = arith.constant 0 : i32
      %dma_wait3A_353 = arith.constant 0 : i32
      %dma_wait3A_354 = arith.constant 0 : i32
      %dma_wait3A_355 = arith.constant 0 : i32
      %dma_wait3A_356 = tpu.memref_slice %arg10[%rem3A_350, %dma_wait3A_352, %dma_wait3A_353, %dma_wait3A_354, %dma_wait3A_355] : memref<2x4x4x8x129xf32, #tpu.memory_space<vmem>> -> memref<1x4x4x8x128xf32, #tpu.memory_space<vmem>>
      %dma_wait3A_357 = tpu.memref_squeeze %dma_wait3A_356 : memref<1x4x4x8x128xf32, #tpu.memory_space<vmem>> -> memref<4x4x8x128xf32, #tpu.memory_space<vmem>>
      %dma_wait3A_358 = arith.constant 0 : i32
      %dma_wait3A_359 = arith.constant 0 : i32
      %dma_wait3A_360 = arith.constant 0 : i32
      %dma_wait3A_361 = arith.constant 0 : i32
      %dma_wait3A_362 = tpu.memref_slice %arg5[%dma_wait3A_358, %dma_wait3A_359, %dma_wait3A_351, %dma_wait3A_360, %dma_wait3A_361] : memref<200x4x32x8x128xf32, #tpu.memory_space<hbm>> -> memref<4x4x1x8x128xf32, #tpu.memory_space<hbm>>
      %dma_wait3A_363 = tpu.memref_squeeze %dma_wait3A_362 : memref<4x4x1x8x128xf32, #tpu.memory_space<hbm>> -> memref<4x4x8x128xf32, #tpu.memory_space<hbm>>
      %dma_wait3A_364 = tpu.memref_slice %arg12[%rem3A_350] : memref<2x!tpu.dma_semaphore, #tpu.memory_space<semaphore_mem>> -> memref<1x!tpu.dma_semaphore, #tpu.memory_space<semaphore_mem>>
      %dma_wait3A_365 = tpu.memref_squeeze %dma_wait3A_364 : memref<1x!tpu.dma_semaphore, #tpu.memory_space<semaphore_mem>> -> memref<!tpu.dma_semaphore, #tpu.memory_space<semaphore_mem>>
      %dma_wait3A_366 = arith.constant 0 : i32
      %dma_wait3A_367 = arith.constant 0 : i32
      %dma_wait3A_368 = arith.constant 0 : i32
      %dma_wait3A_369 = arith.constant 0 : i32
      %dma_wait3A_370 = tpu.memref_slice %arg5[%dma_wait3A_366, %dma_wait3A_367, %dma_wait3A_351, %dma_wait3A_368, %dma_wait3A_369] : memref<200x4x32x8x128xf32, #tpu.memory_space<hbm>> -> memref<4x4x1x8x128xf32, #tpu.memory_space<hbm>>
      %dma_wait3A_371 = tpu.memref_squeeze %dma_wait3A_370 : memref<4x4x1x8x128xf32, #tpu.memory_space<hbm>> -> memref<4x4x8x128xf32, #tpu.memory_space<hbm>>
      %dma_wait3A_372 = arith.constant 0 : i32
      %dma_wait3A_373 = arith.constant 0 : i32
      %dma_wait3A_374 = arith.constant 0 : i32
      %dma_wait3A_375 = arith.constant 0 : i32
      %dma_wait3A_376 = tpu.memref_slice %arg10[%rem3A_350, %dma_wait3A_372, %dma_wait3A_373, %dma_wait3A_374, %dma_wait3A_375] : memref<2x4x4x8x129xf32, #tpu.memory_space<vmem>> -> memref<1x4x4x8x128xf32, #tpu.memory_space<vmem>>
      %dma_wait3A_377 = tpu.memref_squeeze %dma_wait3A_376 : memref<1x4x4x8x128xf32, #tpu.memory_space<vmem>> -> memref<4x4x8x128xf32, #tpu.memory_space<vmem>>
      tpu.wait_dma2 semaphore(%dma_wait3A_365 : memref<!tpu.dma_semaphore, #tpu.memory_space<semaphore_mem>>) src(%dma_wait3A_377 : memref<4x4x8x128xf32, #tpu.memory_space<vmem>>) dst(%dma_wait3A_371 : memref<4x4x8x128xf32, #tpu.memory_space<hbm>>)
      %mul3A_378 = arith.constant 4 : i32
      %mul3A_379 = arith.muli %mul3A_378, %scan3A_348 : i32
      %add3A_380 = arith.constant 0 : i32
      %add3A_381 = arith.addi %mul3A_379, %add3A_380 : i32
      %mul3A_382 = arith.constant 4 : i32
      %mul3A_383 = arith.muli %mul3A_382, %rem3A_350 : i32
      %add3A_384 = arith.constant 0 : i32
      %add3A_385 = arith.addi %mul3A_383, %add3A_384 : i32
      %dma_wait3A_386 = arith.constant 0 : i32
      %dma_wait3A_387 = arith.constant 0 : i32
      %dma_wait3A_388 = tpu.memref_slice %arg9[%add3A_385, %dma_wait3A_386, %dma_wait3A_387] : memref<8x128x32xf32, #tpu.memory_space<vmem>> -> memref<1x128x32xf32, #tpu.memory_space<vmem>>
      %dma_wait3A_389 = tpu.memref_squeeze %dma_wait3A_388 : memref<1x128x32xf32, #tpu.memory_space<vmem>> -> memref<128x32xf32, #tpu.memory_space<vmem>>
      %dma_wait3A_390 = arith.constant 0 : i32
      %dma_wait3A_391 = arith.constant 0 : i32
      %dma_wait3A_392 = tpu.memref_slice %arg3[%dma_wait3A_390, %dma_wait3A_391] : memref<1000000x32xf32, #tpu.memory_space<hbm>> -> memref<128x32xf32, #tpu.memory_space<hbm>>
      %dma_wait3A_393 = tpu.memref_slice %arg11[%add3A_385] : memref<8x!tpu.dma_semaphore, #tpu.memory_space<semaphore_mem>> -> memref<1x!tpu.dma_semaphore, #tpu.memory_space<semaphore_mem>>
      %dma_wait3A_394 = tpu.memref_squeeze %dma_wait3A_393 : memref<1x!tpu.dma_semaphore, #tpu.memory_space<semaphore_mem>> -> memref<!tpu.dma_semaphore, #tpu.memory_space<semaphore_mem>>
      %dma_wait3A_395 = arith.constant 0 : i32
      %dma_wait3A_396 = arith.constant 0 : i32
      %dma_wait3A_397 = tpu.memref_slice %arg9[%add3A_385, %dma_wait3A_395, %dma_wait3A_396] : memref<8x128x32xf32, #tpu.memory_space<vmem>> -> memref<1x128x32xf32, #tpu.memory_space<vmem>>
      %dma_wait3A_398 = tpu.memref_squeeze %dma_wait3A_397 : memref<1x128x32xf32, #tpu.memory_space<vmem>> -> memref<128x32xf32, #tpu.memory_space<vmem>>
      %dma_wait3A_399 = arith.constant 0 : i32
      %dma_wait3A_400 = arith.constant 0 : i32
      %dma_wait3A_401 = tpu.memref_slice %arg3[%dma_wait3A_399, %dma_wait3A_400] : memref<1000000x32xf32, #tpu.memory_space<hbm>> -> memref<128x32xf32, #tpu.memory_space<hbm>>
      tpu.wait_dma2 semaphore(%dma_wait3A_394 : memref<!tpu.dma_semaphore, #tpu.memory_space<semaphore_mem>>) src(%dma_wait3A_401 : memref<128x32xf32, #tpu.memory_space<hbm>>) dst(%dma_wait3A_398 : memref<128x32xf32, #tpu.memory_space<vmem>>)
      %get3A = arith.index_cast %add3A_381 : i32 to index
      %get3A_402 = arith.constant 0 : index
      %get3A_403 = tpu.vector_load %arg8[%get3A, %get3A_402] {strides = array<i32>} : memref<200x32xf32, #tpu.memory_space<vmem>>, vector<16xf32>,
      %get3A_404 = arith.index_cast %add3A_381 : i32 to index
      %get3A_405 = arith.constant 16 : index
      %get3A_406 = tpu.vector_load %arg8[%get3A_404, %get3A_405] {strides = array<i32>} : memref<200x32xf32, #tpu.memory_space<vmem>>, vector<16xf32>,
      %parallel_loop3A = arith.constant 0 : i32
      %parallel_loop3A_407 = arith.constant 128 : i32
      %parallel_loop3A_408 = arith.constant 1 : i32
      %parallel_loop3A_409 = arith.constant 0 : i32
      scf.for %parallel_loop3A_556 = %parallel_loop3A to %parallel_loop3A_407 step %parallel_loop3A_408  : i32 {
        %parallel_loop3A_557 = arith.constant 0 : i32
        %parallel_loop3A_558 = vector.broadcast %parallel_loop3A_557 : i32 to vector<16xi32>
        %parallel_loop3A_559 = vector.broadcast %parallel_loop3A_556 : i32 to vector<16xi32>
        %parallel_loop3A_560 = arith.addi %parallel_loop3A_558, %parallel_loop3A_559 : vector<16xi32>
        %parallel_loop3A_561 = arith.index_cast %add3A_385 : i32 to index
        %parallel_loop3A_562 = arith.index_cast %parallel_loop3A_556 : i32 to index
        %parallel_loop3A_563 = arith.constant 0 : index
        %parallel_loop3A_564 = tpu.vector_load %arg9[%parallel_loop3A_561, %parallel_loop3A_562, %parallel_loop3A_563] {strides = array<i32>} : memref<8x128x32xf32, #tpu.memory_space<vmem>>, vector<16xf32>,
        %parallel_loop3A_565 = arith.index_cast %add3A_385 : i32 to index
        %parallel_loop3A_566 = arith.index_cast %parallel_loop3A_556 : i32 to index
        %parallel_loop3A_567 = arith.constant 16 : index
        %parallel_loop3A_568 = tpu.vector_load %arg9[%parallel_loop3A_565, %parallel_loop3A_566, %parallel_loop3A_567] {strides = array<i32>} : memref<8x128x32xf32, #tpu.memory_space<vmem>>, vector<16xf32>,
        %parallel_loop3A_569 = arith.constant 5.65685415 : f32
        %parallel_loop3A_570 = vector.broadcast %parallel_loop3A_569 : f32 to vector<16xf32>
        %parallel_loop3A_571 = arith.mulf %parallel_loop3A_564, %parallel_loop3A_570 : vector<16xf32>
        %parallel_loop3A_572 = arith.addf %parallel_loop3A_571, %get3A_403 : vector<16xf32>
        %parallel_loop3A_573 = arith.constant 0 : i32
        %parallel_loop3A_574 = arith.constant 0 : i32
        %parallel_loop3A_575 = arith.constant 0 : i32
        %parallel_loop3A_576 = tpu.memref_slice %arg10[%rem3A_350, %parallel_loop3A_409, %parallel_loop3A_573, %parallel_loop3A_574, %parallel_loop3A_575] : memref<2x4x4x8x129xf32, #tpu.memory_space<vmem>> -> memref<1x1x4x8x129xf32, #tpu.memory_space<vmem>>
        %parallel_loop3A_577 = tpu.memref_squeeze %parallel_loop3A_576 : memref<1x1x4x8x129xf32, #tpu.memory_space<vmem>> -> memref<4x8x129xf32, #tpu.memory_space<vmem>>
        tpu.vector_store_idx %parallel_loop3A_577[%select_n3A, %select_n3A_45, %parallel_loop3A_560], %parallel_loop3A_572 : memref<4x8x129xf32, #tpu.memory_space<vmem>>[vector<16xi32>, vector<16xi32>, vector<16xi32>], vector<16xf32>,
        %parallel_loop3A_578 = arith.constant 5.65685415 : f32
        %parallel_loop3A_579 = vector.broadcast %parallel_loop3A_578 : f32 to vector<16xf32>
        %parallel_loop3A_580 = arith.mulf %parallel_loop3A_568, %parallel_loop3A_579 : vector<16xf32>
        %parallel_loop3A_581 = arith.addf %parallel_loop3A_580, %get3A_406 : vector<16xf32>
        %parallel_loop3A_582 = arith.constant 0 : i32
        %parallel_loop3A_583 = arith.constant 0 : i32
        %parallel_loop3A_584 = arith.constant 0 : i32
        %parallel_loop3A_585 = tpu.memref_slice %arg10[%rem3A_350, %parallel_loop3A_409, %parallel_loop3A_582, %parallel_loop3A_583, %parallel_loop3A_584] : memref<2x4x4x8x129xf32, #tpu.memory_space<vmem>> -> memref<1x1x4x8x129xf32, #tpu.memory_space<vmem>>
        %parallel_loop3A_586 = tpu.memref_squeeze %parallel_loop3A_585 : memref<1x1x4x8x129xf32, #tpu.memory_space<vmem>> -> memref<4x8x129xf32, #tpu.memory_space<vmem>>
        tpu.vector_store_idx %parallel_loop3A_586[%select_n3A_79, %select_n3A_104, %parallel_loop3A_560], %parallel_loop3A_581 : memref<4x8x129xf32, #tpu.memory_space<vmem>>[vector<16xi32>, vector<16xi32>, vector<16xi32>], vector<16xf32>,
      } {sc.loop_unroll_factor = 8 : i64, sc.parallel_access}
      %lt3A_410 = arith.constant 48 : i32
      %lt3A_411 = arith.cmpi slt, %scan3A_348, %lt3A_410 : i32
      %convert_element_type3A = arith.extui %lt3A_411 : i1 to i32
      %cond3A = arith.constant 0 : i32
      %cond3A_412 = arith.cmpi ne, %convert_element_type3A, %cond3A : i32
      scf.if %cond3A_412 {
        %add3A_556 = arith.constant 8 : i32
        %add3A_557 = arith.addi %add3A_381, %add3A_556 : i32
        %dma_start3A_558 = arith.constant 0 : i32
        %dma_start3A_559 = arith.constant 0 : i32
        %dma_start3A_560 = tpu.memref_slice %arg9[%add3A_385, %dma_start3A_558, %dma_start3A_559] : memref<8x128x32xf32, #tpu.memory_space<vmem>> -> memref<1x128x32xf32, #tpu.memory_space<vmem>>
        %dma_start3A_561 = tpu.memref_squeeze %dma_start3A_560 : memref<1x128x32xf32, #tpu.memory_space<vmem>> -> memref<128x32xf32, #tpu.memory_space<vmem>>
        %dma_start3A_562 = arith.constant 0 : i32
        %dma_start3A_563 = tpu.memref_slice %arg7[%add3A_557, %dma_start3A_562] : memref<200x128xi32, #tpu.memory_space<vmem>> -> memref<1x128xi32, #tpu.memory_space<vmem>>
        %dma_start3A_564 = tpu.memref_squeeze %dma_start3A_563 : memref<1x128xi32, #tpu.memory_space<vmem>> -> memref<128xi32, #tpu.memory_space<vmem>>
        %dma_start3A_565 = arith.constant 0 : i32
        %dma_start3A_566 = arith.constant 0 : i32
        %dma_start3A_567 = tpu.memref_slice %arg3[%dma_start3A_565, %dma_start3A_566] : memref<1000000x32xf32, #tpu.memory_space<hbm>> -> memref<1000000x32xf32, #tpu.memory_space<hbm>>
        %dma_start3A_568 = tpu.memref_slice %arg11[%add3A_385] : memref<8x!tpu.dma_semaphore, #tpu.memory_space<semaphore_mem>> -> memref<1x!tpu.dma_semaphore, #tpu.memory_space<semaphore_mem>>
        %dma_start3A_569 = tpu.memref_squeeze %dma_start3A_568 : memref<1x!tpu.dma_semaphore, #tpu.memory_space<semaphore_mem>> -> memref<!tpu.dma_semaphore, #tpu.memory_space<semaphore_mem>>
        tpu.enqueue_indirect_dma source(%dma_start3A_567 : memref<1000000x32xf32, #tpu.memory_space<hbm>>) target(%dma_start3A_561 : memref<128x32xf32, #tpu.memory_space<vmem>>) offsets(%dma_start3A_564 : memref<128xi32, #tpu.memory_space<vmem>>) semaphore(%dma_start3A_569 : memref<!tpu.dma_semaphore, #tpu.memory_space<semaphore_mem>>)
      } else {
      }
      %mul3A_413 = arith.constant 4 : i32
      %mul3A_414 = arith.muli %mul3A_413, %scan3A_348 : i32
      %add3A_415 = arith.constant 1 : i32
      %add3A_416 = arith.addi %mul3A_414, %add3A_415 : i32
      %mul3A_417 = arith.constant 4 : i32
      %mul3A_418 = arith.muli %mul3A_417, %rem3A_350 : i32
      %add3A_419 = arith.constant 1 : i32
      %add3A_420 = arith.addi %mul3A_418, %add3A_419 : i32
      %dma_wait3A_421 = arith.constant 0 : i32
      %dma_wait3A_422 = arith.constant 0 : i32
      %dma_wait3A_423 = tpu.memref_slice %arg9[%add3A_420, %dma_wait3A_421, %dma_wait3A_422] : memref<8x128x32xf32, #tpu.memory_space<vmem>> -> memref<1x128x32xf32, #tpu.memory_space<vmem>>
      %dma_wait3A_424 = tpu.memref_squeeze %dma_wait3A_423 : memref<1x128x32xf32, #tpu.memory_space<vmem>> -> memref<128x32xf32, #tpu.memory_space<vmem>>
      %dma_wait3A_425 = arith.constant 0 : i32
      %dma_wait3A_426 = arith.constant 0 : i32
      %dma_wait3A_427 = tpu.memref_slice %arg3[%dma_wait3A_425, %dma_wait3A_426] : memref<1000000x32xf32, #tpu.memory_space<hbm>> -> memref<128x32xf32, #tpu.memory_space<hbm>>
      %dma_wait3A_428 = tpu.memref_slice %arg11[%add3A_420] : memref<8x!tpu.dma_semaphore, #tpu.memory_space<semaphore_mem>> -> memref<1x!tpu.dma_semaphore, #tpu.memory_space<semaphore_mem>>
      %dma_wait3A_429 = tpu.memref_squeeze %dma_wait3A_428 : memref<1x!tpu.dma_semaphore, #tpu.memory_space<semaphore_mem>> -> memref<!tpu.dma_semaphore, #tpu.memory_space<semaphore_mem>>
      %dma_wait3A_430 = arith.constant 0 : i32
      %dma_wait3A_431 = arith.constant 0 : i32
      %dma_wait3A_432 = tpu.memref_slice %arg9[%add3A_420, %dma_wait3A_430, %dma_wait3A_431] : memref<8x128x32xf32, #tpu.memory_space<vmem>> -> memref<1x128x32xf32, #tpu.memory_space<vmem>>
      %dma_wait3A_433 = tpu.memref_squeeze %dma_wait3A_432 : memref<1x128x32xf32, #tpu.memory_space<vmem>> -> memref<128x32xf32, #tpu.memory_space<vmem>>
      %dma_wait3A_434 = arith.constant 0 : i32
      %dma_wait3A_435 = arith.constant 0 : i32
      %dma_wait3A_436 = tpu.memref_slice %arg3[%dma_wait3A_434, %dma_wait3A_435] : memref<1000000x32xf32, #tpu.memory_space<hbm>> -> memref<128x32xf32, #tpu.memory_space<hbm>>
      tpu.wait_dma2 semaphore(%dma_wait3A_429 : memref<!tpu.dma_semaphore, #tpu.memory_space<semaphore_mem>>) src(%dma_wait3A_436 : memref<128x32xf32, #tpu.memory_space<hbm>>) dst(%dma_wait3A_433 : memref<128x32xf32, #tpu.memory_space<vmem>>)
      %get3A_437 = arith.index_cast %add3A_416 : i32 to index
      %get3A_438 = arith.constant 0 : index
      %get3A_439 = tpu.vector_load %arg8[%get3A_437, %get3A_438] {strides = array<i32>} : memref<200x32xf32, #tpu.memory_space<vmem>>, vector<16xf32>,
      %get3A_440 = arith.index_cast %add3A_416 : i32 to index
      %get3A_441 = arith.constant 16 : index
      %get3A_442 = tpu.vector_load %arg8[%get3A_440, %get3A_441] {strides = array<i32>} : memref<200x32xf32, #tpu.memory_space<vmem>>, vector<16xf32>,
      %parallel_loop3A_443 = arith.constant 0 : i32
      %parallel_loop3A_444 = arith.constant 128 : i32
      %parallel_loop3A_445 = arith.constant 1 : i32
      %parallel_loop3A_446 = arith.constant 1 : i32
      scf.for %parallel_loop3A_556 = %parallel_loop3A_443 to %parallel_loop3A_444 step %parallel_loop3A_445  : i32 {
        %parallel_loop3A_557 = arith.constant 0 : i32
        %parallel_loop3A_558 = vector.broadcast %parallel_loop3A_557 : i32 to vector<16xi32>
        %parallel_loop3A_559 = vector.broadcast %parallel_loop3A_556 : i32 to vector<16xi32>
        %parallel_loop3A_560 = arith.addi %parallel_loop3A_558, %parallel_loop3A_559 : vector<16xi32>
        %parallel_loop3A_561 = arith.index_cast %add3A_420 : i32 to index
        %parallel_loop3A_562 = arith.index_cast %parallel_loop3A_556 : i32 to index
        %parallel_loop3A_563 = arith.constant 0 : index
        %parallel_loop3A_564 = tpu.vector_load %arg9[%parallel_loop3A_561, %parallel_loop3A_562, %parallel_loop3A_563] {strides = array<i32>} : memref<8x128x32xf32, #tpu.memory_space<vmem>>, vector<16xf32>,
        %parallel_loop3A_565 = arith.index_cast %add3A_420 : i32 to index
        %parallel_loop3A_566 = arith.index_cast %parallel_loop3A_556 : i32 to index
        %parallel_loop3A_567 = arith.constant 16 : index
        %parallel_loop3A_568 = tpu.vector_load %arg9[%parallel_loop3A_565, %parallel_loop3A_566, %parallel_loop3A_567] {strides = array<i32>} : memref<8x128x32xf32, #tpu.memory_space<vmem>>, vector<16xf32>,
        %parallel_loop3A_569 = arith.constant 5.65685415 : f32
        %parallel_loop3A_570 = vector.broadcast %parallel_loop3A_569 : f32 to vector<16xf32>
        %parallel_loop3A_571 = arith.mulf %parallel_loop3A_564, %parallel_loop3A_570 : vector<16xf32>
        %parallel_loop3A_572 = arith.addf %parallel_loop3A_571, %get3A_439 : vector<16xf32>
        %parallel_loop3A_573 = arith.constant 0 : i32
        %parallel_loop3A_574 = arith.constant 0 : i32
        %parallel_loop3A_575 = arith.constant 0 : i32
        %parallel_loop3A_576 = tpu.memref_slice %arg10[%rem3A_350, %parallel_loop3A_446, %parallel_loop3A_573, %parallel_loop3A_574, %parallel_loop3A_575] : memref<2x4x4x8x129xf32, #tpu.memory_space<vmem>> -> memref<1x1x4x8x129xf32, #tpu.memory_space<vmem>>
        %parallel_loop3A_577 = tpu.memref_squeeze %parallel_loop3A_576 : memref<1x1x4x8x129xf32, #tpu.memory_space<vmem>> -> memref<4x8x129xf32, #tpu.memory_space<vmem>>
        tpu.vector_store_idx %parallel_loop3A_577[%select_n3A, %select_n3A_45, %parallel_loop3A_560], %parallel_loop3A_572 : memref<4x8x129xf32, #tpu.memory_space<vmem>>[vector<16xi32>, vector<16xi32>, vector<16xi32>], vector<16xf32>,
        %parallel_loop3A_578 = arith.constant 5.65685415 : f32
        %parallel_loop3A_579 = vector.broadcast %parallel_loop3A_578 : f32 to vector<16xf32>
        %parallel_loop3A_580 = arith.mulf %parallel_loop3A_568, %parallel_loop3A_579 : vector<16xf32>
        %parallel_loop3A_581 = arith.addf %parallel_loop3A_580, %get3A_442 : vector<16xf32>
        %parallel_loop3A_582 = arith.constant 0 : i32
        %parallel_loop3A_583 = arith.constant 0 : i32
        %parallel_loop3A_584 = arith.constant 0 : i32
        %parallel_loop3A_585 = tpu.memref_slice %arg10[%rem3A_350, %parallel_loop3A_446, %parallel_loop3A_582, %parallel_loop3A_583, %parallel_loop3A_584] : memref<2x4x4x8x129xf32, #tpu.memory_space<vmem>> -> memref<1x1x4x8x129xf32, #tpu.memory_space<vmem>>
        %parallel_loop3A_586 = tpu.memref_squeeze %parallel_loop3A_585 : memref<1x1x4x8x129xf32, #tpu.memory_space<vmem>> -> memref<4x8x129xf32, #tpu.memory_space<vmem>>
        tpu.vector_store_idx %parallel_loop3A_586[%select_n3A_79, %select_n3A_104, %parallel_loop3A_560], %parallel_loop3A_581 : memref<4x8x129xf32, #tpu.memory_space<vmem>>[vector<16xi32>, vector<16xi32>, vector<16xi32>], vector<16xf32>,
      } {sc.loop_unroll_factor = 8 : i64, sc.parallel_access}
      %lt3A_447 = arith.constant 48 : i32
      %lt3A_448 = arith.cmpi slt, %scan3A_348, %lt3A_447 : i32
      %convert_element_type3A_449 = arith.extui %lt3A_448 : i1 to i32
      %cond3A_450 = arith.constant 0 : i32
      %cond3A_451 = arith.cmpi ne, %convert_element_type3A_449, %cond3A_450 : i32
      scf.if %cond3A_451 {
        %add3A_556 = arith.constant 8 : i32
        %add3A_557 = arith.addi %add3A_416, %add3A_556 : i32
        %dma_start3A_558 = arith.constant 0 : i32
        %dma_start3A_559 = arith.constant 0 : i32
        %dma_start3A_560 = tpu.memref_slice %arg9[%add3A_420, %dma_start3A_558, %dma_start3A_559] : memref<8x128x32xf32, #tpu.memory_space<vmem>> -> memref<1x128x32xf32, #tpu.memory_space<vmem>>
        %dma_start3A_561 = tpu.memref_squeeze %dma_start3A_560 : memref<1x128x32xf32, #tpu.memory_space<vmem>> -> memref<128x32xf32, #tpu.memory_space<vmem>>
        %dma_start3A_562 = arith.constant 0 : i32
        %dma_start3A_563 = tpu.memref_slice %arg7[%add3A_557, %dma_start3A_562] : memref<200x128xi32, #tpu.memory_space<vmem>> -> memref<1x128xi32, #tpu.memory_space<vmem>>
        %dma_start3A_564 = tpu.memref_squeeze %dma_start3A_563 : memref<1x128xi32, #tpu.memory_space<vmem>> -> memref<128xi32, #tpu.memory_space<vmem>>
        %dma_start3A_565 = arith.constant 0 : i32
        %dma_start3A_566 = arith.constant 0 : i32
        %dma_start3A_567 = tpu.memref_slice %arg3[%dma_start3A_565, %dma_start3A_566] : memref<1000000x32xf32, #tpu.memory_space<hbm>> -> memref<1000000x32xf32, #tpu.memory_space<hbm>>
        %dma_start3A_568 = tpu.memref_slice %arg11[%add3A_420] : memref<8x!tpu.dma_semaphore, #tpu.memory_space<semaphore_mem>> -> memref<1x!tpu.dma_semaphore, #tpu.memory_space<semaphore_mem>>
        %dma_start3A_569 = tpu.memref_squeeze %dma_start3A_568 : memref<1x!tpu.dma_semaphore, #tpu.memory_space<semaphore_mem>> -> memref<!tpu.dma_semaphore, #tpu.memory_space<semaphore_mem>>
        tpu.enqueue_indirect_dma source(%dma_start3A_567 : memref<1000000x32xf32, #tpu.memory_space<hbm>>) target(%dma_start3A_561 : memref<128x32xf32, #tpu.memory_space<vmem>>) offsets(%dma_start3A_564 : memref<128xi32, #tpu.memory_space<vmem>>) semaphore(%dma_start3A_569 : memref<!tpu.dma_semaphore, #tpu.memory_space<semaphore_mem>>)
      } else {
      }
      %mul3A_452 = arith.constant 4 : i32
      %mul3A_453 = arith.muli %mul3A_452, %scan3A_348 : i32
      %add3A_454 = arith.constant 2 : i32
      %add3A_455 = arith.addi %mul3A_453, %add3A_454 : i32
      %mul3A_456 = arith.constant 4 : i32
      %mul3A_457 = arith.muli %mul3A_456, %rem3A_350 : i32
      %add3A_458 = arith.constant 2 : i32
      %add3A_459 = arith.addi %mul3A_457, %add3A_458 : i32
      %dma_wait3A_460 = arith.constant 0 : i32
      %dma_wait3A_461 = arith.constant 0 : i32
      %dma_wait3A_462 = tpu.memref_slice %arg9[%add3A_459, %dma_wait3A_460, %dma_wait3A_461] : memref<8x128x32xf32, #tpu.memory_space<vmem>> -> memref<1x128x32xf32, #tpu.memory_space<vmem>>
      %dma_wait3A_463 = tpu.memref_squeeze %dma_wait3A_462 : memref<1x128x32xf32, #tpu.memory_space<vmem>> -> memref<128x32xf32, #tpu.memory_space<vmem>>
      %dma_wait3A_464 = arith.constant 0 : i32
      %dma_wait3A_465 = arith.constant 0 : i32
      %dma_wait3A_466 = tpu.memref_slice %arg3[%dma_wait3A_464, %dma_wait3A_465] : memref<1000000x32xf32, #tpu.memory_space<hbm>> -> memref<128x32xf32, #tpu.memory_space<hbm>>
      %dma_wait3A_467 = tpu.memref_slice %arg11[%add3A_459] : memref<8x!tpu.dma_semaphore, #tpu.memory_space<semaphore_mem>> -> memref<1x!tpu.dma_semaphore, #tpu.memory_space<semaphore_mem>>
      %dma_wait3A_468 = tpu.memref_squeeze %dma_wait3A_467 : memref<1x!tpu.dma_semaphore, #tpu.memory_space<semaphore_mem>> -> memref<!tpu.dma_semaphore, #tpu.memory_space<semaphore_mem>>
      %dma_wait3A_469 = arith.constant 0 : i32
      %dma_wait3A_470 = arith.constant 0 : i32
      %dma_wait3A_471 = tpu.memref_slice %arg9[%add3A_459, %dma_wait3A_469, %dma_wait3A_470] : memref<8x128x32xf32, #tpu.memory_space<vmem>> -> memref<1x128x32xf32, #tpu.memory_space<vmem>>
      %dma_wait3A_472 = tpu.memref_squeeze %dma_wait3A_471 : memref<1x128x32xf32, #tpu.memory_space<vmem>> -> memref<128x32xf32, #tpu.memory_space<vmem>>
      %dma_wait3A_473 = arith.constant 0 : i32
      %dma_wait3A_474 = arith.constant 0 : i32
      %dma_wait3A_475 = tpu.memref_slice %arg3[%dma_wait3A_473, %dma_wait3A_474] : memref<1000000x32xf32, #tpu.memory_space<hbm>> -> memref<128x32xf32, #tpu.memory_space<hbm>>
      tpu.wait_dma2 semaphore(%dma_wait3A_468 : memref<!tpu.dma_semaphore, #tpu.memory_space<semaphore_mem>>) src(%dma_wait3A_475 : memref<128x32xf32, #tpu.memory_space<hbm>>) dst(%dma_wait3A_472 : memref<128x32xf32, #tpu.memory_space<vmem>>)
      %get3A_476 = arith.index_cast %add3A_455 : i32 to index
      %get3A_477 = arith.constant 0 : index
      %get3A_478 = tpu.vector_load %arg8[%get3A_476, %get3A_477] {strides = array<i32>} : memref<200x32xf32, #tpu.memory_space<vmem>>, vector<16xf32>,
      %get3A_479 = arith.index_cast %add3A_455 : i32 to index
      %get3A_480 = arith.constant 16 : index
      %get3A_481 = tpu.vector_load %arg8[%get3A_479, %get3A_480] {strides = array<i32>} : memref<200x32xf32, #tpu.memory_space<vmem>>, vector<16xf32>,
      %parallel_loop3A_482 = arith.constant 0 : i32
      %parallel_loop3A_483 = arith.constant 128 : i32
      %parallel_loop3A_484 = arith.constant 1 : i32
      %parallel_loop3A_485 = arith.constant 2 : i32
      scf.for %parallel_loop3A_556 = %parallel_loop3A_482 to %parallel_loop3A_483 step %parallel_loop3A_484  : i32 {
        %parallel_loop3A_557 = arith.constant 0 : i32
        %parallel_loop3A_558 = vector.broadcast %parallel_loop3A_557 : i32 to vector<16xi32>
        %parallel_loop3A_559 = vector.broadcast %parallel_loop3A_556 : i32 to vector<16xi32>
        %parallel_loop3A_560 = arith.addi %parallel_loop3A_558, %parallel_loop3A_559 : vector<16xi32>
        %parallel_loop3A_561 = arith.index_cast %add3A_459 : i32 to index
        %parallel_loop3A_562 = arith.index_cast %parallel_loop3A_556 : i32 to index
        %parallel_loop3A_563 = arith.constant 0 : index
        %parallel_loop3A_564 = tpu.vector_load %arg9[%parallel_loop3A_561, %parallel_loop3A_562, %parallel_loop3A_563] {strides = array<i32>} : memref<8x128x32xf32, #tpu.memory_space<vmem>>, vector<16xf32>,
        %parallel_loop3A_565 = arith.index_cast %add3A_459 : i32 to index
        %parallel_loop3A_566 = arith.index_cast %parallel_loop3A_556 : i32 to index
        %parallel_loop3A_567 = arith.constant 16 : index
        %parallel_loop3A_568 = tpu.vector_load %arg9[%parallel_loop3A_565, %parallel_loop3A_566, %parallel_loop3A_567] {strides = array<i32>} : memref<8x128x32xf32, #tpu.memory_space<vmem>>, vector<16xf32>,
        %parallel_loop3A_569 = arith.constant 5.65685415 : f32
        %parallel_loop3A_570 = vector.broadcast %parallel_loop3A_569 : f32 to vector<16xf32>
        %parallel_loop3A_571 = arith.mulf %parallel_loop3A_564, %parallel_loop3A_570 : vector<16xf32>
        %parallel_loop3A_572 = arith.addf %parallel_loop3A_571, %get3A_478 : vector<16xf32>
        %parallel_loop3A_573 = arith.constant 0 : i32
        %parallel_loop3A_574 = arith.constant 0 : i32
        %parallel_loop3A_575 = arith.constant 0 : i32
        %parallel_loop3A_576 = tpu.memref_slice %arg10[%rem3A_350, %parallel_loop3A_485, %parallel_loop3A_573, %parallel_loop3A_574, %parallel_loop3A_575] : memref<2x4x4x8x129xf32, #tpu.memory_space<vmem>> -> memref<1x1x4x8x129xf32, #tpu.memory_space<vmem>>
        %parallel_loop3A_577 = tpu.memref_squeeze %parallel_loop3A_576 : memref<1x1x4x8x129xf32, #tpu.memory_space<vmem>> -> memref<4x8x129xf32, #tpu.memory_space<vmem>>
        tpu.vector_store_idx %parallel_loop3A_577[%select_n3A, %select_n3A_45, %parallel_loop3A_560], %parallel_loop3A_572 : memref<4x8x129xf32, #tpu.memory_space<vmem>>[vector<16xi32>, vector<16xi32>, vector<16xi32>], vector<16xf32>,
        %parallel_loop3A_578 = arith.constant 5.65685415 : f32
        %parallel_loop3A_579 = vector.broadcast %parallel_loop3A_578 : f32 to vector<16xf32>
        %parallel_loop3A_580 = arith.mulf %parallel_loop3A_568, %parallel_loop3A_579 : vector<16xf32>
        %parallel_loop3A_581 = arith.addf %parallel_loop3A_580, %get3A_481 : vector<16xf32>
        %parallel_loop3A_582 = arith.constant 0 : i32
        %parallel_loop3A_583 = arith.constant 0 : i32
        %parallel_loop3A_584 = arith.constant 0 : i32
        %parallel_loop3A_585 = tpu.memref_slice %arg10[%rem3A_350, %parallel_loop3A_485, %parallel_loop3A_582, %parallel_loop3A_583, %parallel_loop3A_584] : memref<2x4x4x8x129xf32, #tpu.memory_space<vmem>> -> memref<1x1x4x8x129xf32, #tpu.memory_space<vmem>>
        %parallel_loop3A_586 = tpu.memref_squeeze %parallel_loop3A_585 : memref<1x1x4x8x129xf32, #tpu.memory_space<vmem>> -> memref<4x8x129xf32, #tpu.memory_space<vmem>>
        tpu.vector_store_idx %parallel_loop3A_586[%select_n3A_79, %select_n3A_104, %parallel_loop3A_560], %parallel_loop3A_581 : memref<4x8x129xf32, #tpu.memory_space<vmem>>[vector<16xi32>, vector<16xi32>, vector<16xi32>], vector<16xf32>,
      } {sc.loop_unroll_factor = 8 : i64, sc.parallel_access}
      %lt3A_486 = arith.constant 48 : i32
      %lt3A_487 = arith.cmpi slt, %scan3A_348, %lt3A_486 : i32
      %convert_element_type3A_488 = arith.extui %lt3A_487 : i1 to i32
      %cond3A_489 = arith.constant 0 : i32
      %cond3A_490 = arith.cmpi ne, %convert_element_type3A_488, %cond3A_489 : i32
      scf.if %cond3A_490 {
        %add3A_556 = arith.constant 8 : i32
        %add3A_557 = arith.addi %add3A_455, %add3A_556 : i32
        %dma_start3A_558 = arith.constant 0 : i32
        %dma_start3A_559 = arith.constant 0 : i32
        %dma_start3A_560 = tpu.memref_slice %arg9[%add3A_459, %dma_start3A_558, %dma_start3A_559] : memref<8x128x32xf32, #tpu.memory_space<vmem>> -> memref<1x128x32xf32, #tpu.memory_space<vmem>>
        %dma_start3A_561 = tpu.memref_squeeze %dma_start3A_560 : memref<1x128x32xf32, #tpu.memory_space<vmem>> -> memref<128x32xf32, #tpu.memory_space<vmem>>
        %dma_start3A_562 = arith.constant 0 : i32
        %dma_start3A_563 = tpu.memref_slice %arg7[%add3A_557, %dma_start3A_562] : memref<200x128xi32, #tpu.memory_space<vmem>> -> memref<1x128xi32, #tpu.memory_space<vmem>>
        %dma_start3A_564 = tpu.memref_squeeze %dma_start3A_563 : memref<1x128xi32, #tpu.memory_space<vmem>> -> memref<128xi32, #tpu.memory_space<vmem>>
        %dma_start3A_565 = arith.constant 0 : i32
        %dma_start3A_566 = arith.constant 0 : i32
        %dma_start3A_567 = tpu.memref_slice %arg3[%dma_start3A_565, %dma_start3A_566] : memref<1000000x32xf32, #tpu.memory_space<hbm>> -> memref<1000000x32xf32, #tpu.memory_space<hbm>>
        %dma_start3A_568 = tpu.memref_slice %arg11[%add3A_459] : memref<8x!tpu.dma_semaphore, #tpu.memory_space<semaphore_mem>> -> memref<1x!tpu.dma_semaphore, #tpu.memory_space<semaphore_mem>>
        %dma_start3A_569 = tpu.memref_squeeze %dma_start3A_568 : memref<1x!tpu.dma_semaphore, #tpu.memory_space<semaphore_mem>> -> memref<!tpu.dma_semaphore, #tpu.memory_space<semaphore_mem>>
        tpu.enqueue_indirect_dma source(%dma_start3A_567 : memref<1000000x32xf32, #tpu.memory_space<hbm>>) target(%dma_start3A_561 : memref<128x32xf32, #tpu.memory_space<vmem>>) offsets(%dma_start3A_564 : memref<128xi32, #tpu.memory_space<vmem>>) semaphore(%dma_start3A_569 : memref<!tpu.dma_semaphore, #tpu.memory_space<semaphore_mem>>)
      } else {
      }
      %mul3A_491 = arith.constant 4 : i32
      %mul3A_492 = arith.muli %mul3A_491, %scan3A_348 : i32
      %add3A_493 = arith.constant 3 : i32
      %add3A_494 = arith.addi %mul3A_492, %add3A_493 : i32
      %mul3A_495 = arith.constant 4 : i32
      %mul3A_496 = arith.muli %mul3A_495, %rem3A_350 : i32
      %add3A_497 = arith.constant 3 : i32
      %add3A_498 = arith.addi %mul3A_496, %add3A_497 : i32
      %dma_wait3A_499 = arith.constant 0 : i32
      %dma_wait3A_500 = arith.constant 0 : i32
      %dma_wait3A_501 = tpu.memref_slice %arg9[%add3A_498, %dma_wait3A_499, %dma_wait3A_500] : memref<8x128x32xf32, #tpu.memory_space<vmem>> -> memref<1x128x32xf32, #tpu.memory_space<vmem>>
      %dma_wait3A_502 = tpu.memref_squeeze %dma_wait3A_501 : memref<1x128x32xf32, #tpu.memory_space<vmem>> -> memref<128x32xf32, #tpu.memory_space<vmem>>
      %dma_wait3A_503 = arith.constant 0 : i32
      %dma_wait3A_504 = arith.constant 0 : i32
      %dma_wait3A_505 = tpu.memref_slice %arg3[%dma_wait3A_503, %dma_wait3A_504] : memref<1000000x32xf32, #tpu.memory_space<hbm>> -> memref<128x32xf32, #tpu.memory_space<hbm>>
      %dma_wait3A_506 = tpu.memref_slice %arg11[%add3A_498] : memref<8x!tpu.dma_semaphore, #tpu.memory_space<semaphore_mem>> -> memref<1x!tpu.dma_semaphore, #tpu.memory_space<semaphore_mem>>
      %dma_wait3A_507 = tpu.memref_squeeze %dma_wait3A_506 : memref<1x!tpu.dma_semaphore, #tpu.memory_space<semaphore_mem>> -> memref<!tpu.dma_semaphore, #tpu.memory_space<semaphore_mem>>
      %dma_wait3A_508 = arith.constant 0 : i32
      %dma_wait3A_509 = arith.constant 0 : i32
      %dma_wait3A_510 = tpu.memref_slice %arg9[%add3A_498, %dma_wait3A_508, %dma_wait3A_509] : memref<8x128x32xf32, #tpu.memory_space<vmem>> -> memref<1x128x32xf32, #tpu.memory_space<vmem>>
      %dma_wait3A_511 = tpu.memref_squeeze %dma_wait3A_510 : memref<1x128x32xf32, #tpu.memory_space<vmem>> -> memref<128x32xf32, #tpu.memory_space<vmem>>
      %dma_wait3A_512 = arith.constant 0 : i32
      %dma_wait3A_513 = arith.constant 0 : i32
      %dma_wait3A_514 = tpu.memref_slice %arg3[%dma_wait3A_512, %dma_wait3A_513] : memref<1000000x32xf32, #tpu.memory_space<hbm>> -> memref<128x32xf32, #tpu.memory_space<hbm>>
      tpu.wait_dma2 semaphore(%dma_wait3A_507 : memref<!tpu.dma_semaphore, #tpu.memory_space<semaphore_mem>>) src(%dma_wait3A_514 : memref<128x32xf32, #tpu.memory_space<hbm>>) dst(%dma_wait3A_511 : memref<128x32xf32, #tpu.memory_space<vmem>>)
      %get3A_515 = arith.index_cast %add3A_494 : i32 to index
      %get3A_516 = arith.constant 0 : index
      %get3A_517 = tpu.vector_load %arg8[%get3A_515, %get3A_516] {strides = array<i32>} : memref<200x32xf32, #tpu.memory_space<vmem>>, vector<16xf32>,
      %get3A_518 = arith.index_cast %add3A_494 : i32 to index
      %get3A_519 = arith.constant 16 : index
      %get3A_520 = tpu.vector_load %arg8[%get3A_518, %get3A_519] {strides = array<i32>} : memref<200x32xf32, #tpu.memory_space<vmem>>, vector<16xf32>,
      %parallel_loop3A_521 = arith.constant 0 : i32
      %parallel_loop3A_522 = arith.constant 128 : i32
      %parallel_loop3A_523 = arith.constant 1 : i32
      %parallel_loop3A_524 = arith.constant 3 : i32
      scf.for %parallel_loop3A_556 = %parallel_loop3A_521 to %parallel_loop3A_522 step %parallel_loop3A_523  : i32 {
        %parallel_loop3A_557 = arith.constant 0 : i32
        %parallel_loop3A_558 = vector.broadcast %parallel_loop3A_557 : i32 to vector<16xi32>
        %parallel_loop3A_559 = vector.broadcast %parallel_loop3A_556 : i32 to vector<16xi32>
        %parallel_loop3A_560 = arith.addi %parallel_loop3A_558, %parallel_loop3A_559 : vector<16xi32>
        %parallel_loop3A_561 = arith.index_cast %add3A_498 : i32 to index
        %parallel_loop3A_562 = arith.index_cast %parallel_loop3A_556 : i32 to index
        %parallel_loop3A_563 = arith.constant 0 : index
        %parallel_loop3A_564 = tpu.vector_load %arg9[%parallel_loop3A_561, %parallel_loop3A_562, %parallel_loop3A_563] {strides = array<i32>} : memref<8x128x32xf32, #tpu.memory_space<vmem>>, vector<16xf32>,
        %parallel_loop3A_565 = arith.index_cast %add3A_498 : i32 to index
        %parallel_loop3A_566 = arith.index_cast %parallel_loop3A_556 : i32 to index
        %parallel_loop3A_567 = arith.constant 16 : index
        %parallel_loop3A_568 = tpu.vector_load %arg9[%parallel_loop3A_565, %parallel_loop3A_566, %parallel_loop3A_567] {strides = array<i32>} : memref<8x128x32xf32, #tpu.memory_space<vmem>>, vector<16xf32>,
        %parallel_loop3A_569 = arith.constant 5.65685415 : f32
        %parallel_loop3A_570 = vector.broadcast %parallel_loop3A_569 : f32 to vector<16xf32>
        %parallel_loop3A_571 = arith.mulf %parallel_loop3A_564, %parallel_loop3A_570 : vector<16xf32>
        %parallel_loop3A_572 = arith.addf %parallel_loop3A_571, %get3A_517 : vector<16xf32>
        %parallel_loop3A_573 = arith.constant 0 : i32
        %parallel_loop3A_574 = arith.constant 0 : i32
        %parallel_loop3A_575 = arith.constant 0 : i32
        %parallel_loop3A_576 = tpu.memref_slice %arg10[%rem3A_350, %parallel_loop3A_524, %parallel_loop3A_573, %parallel_loop3A_574, %parallel_loop3A_575] : memref<2x4x4x8x129xf32, #tpu.memory_space<vmem>> -> memref<1x1x4x8x129xf32, #tpu.memory_space<vmem>>
        %parallel_loop3A_577 = tpu.memref_squeeze %parallel_loop3A_576 : memref<1x1x4x8x129xf32, #tpu.memory_space<vmem>> -> memref<4x8x129xf32, #tpu.memory_space<vmem>>
        tpu.vector_store_idx %parallel_loop3A_577[%select_n3A, %select_n3A_45, %parallel_loop3A_560], %parallel_loop3A_572 : memref<4x8x129xf32, #tpu.memory_space<vmem>>[vector<16xi32>, vector<16xi32>, vector<16xi32>], vector<16xf32>,
        %parallel_loop3A_578 = arith.constant 5.65685415 : f32
        %parallel_loop3A_579 = vector.broadcast %parallel_loop3A_578 : f32 to vector<16xf32>
        %parallel_loop3A_580 = arith.mulf %parallel_loop3A_568, %parallel_loop3A_579 : vector<16xf32>
        %parallel_loop3A_581 = arith.addf %parallel_loop3A_580, %get3A_520 : vector<16xf32>
        %parallel_loop3A_582 = arith.constant 0 : i32
        %parallel_loop3A_583 = arith.constant 0 : i32
        %parallel_loop3A_584 = arith.constant 0 : i32
        %parallel_loop3A_585 = tpu.memref_slice %arg10[%rem3A_350, %parallel_loop3A_524, %parallel_loop3A_582, %parallel_loop3A_583, %parallel_loop3A_584] : memref<2x4x4x8x129xf32, #tpu.memory_space<vmem>> -> memref<1x1x4x8x129xf32, #tpu.memory_space<vmem>>
        %parallel_loop3A_586 = tpu.memref_squeeze %parallel_loop3A_585 : memref<1x1x4x8x129xf32, #tpu.memory_space<vmem>> -> memref<4x8x129xf32, #tpu.memory_space<vmem>>
        tpu.vector_store_idx %parallel_loop3A_586[%select_n3A_79, %select_n3A_104, %parallel_loop3A_560], %parallel_loop3A_581 : memref<4x8x129xf32, #tpu.memory_space<vmem>>[vector<16xi32>, vector<16xi32>, vector<16xi32>], vector<16xf32>,
      } {sc.loop_unroll_factor = 8 : i64, sc.parallel_access}
      %lt3A_525 = arith.constant 48 : i32
      %lt3A_526 = arith.cmpi slt, %scan3A_348, %lt3A_525 : i32
      %convert_element_type3A_527 = arith.extui %lt3A_526 : i1 to i32
      %cond3A_528 = arith.constant 0 : i32
      %cond3A_529 = arith.cmpi ne, %convert_element_type3A_527, %cond3A_528 : i32
      scf.if %cond3A_529 {
        %add3A_556 = arith.constant 8 : i32
        %add3A_557 = arith.addi %add3A_494, %add3A_556 : i32
        %dma_start3A_558 = arith.constant 0 : i32
        %dma_start3A_559 = arith.constant 0 : i32
        %dma_start3A_560 = tpu.memref_slice %arg9[%add3A_498, %dma_start3A_558, %dma_start3A_559] : memref<8x128x32xf32, #tpu.memory_space<vmem>> -> memref<1x128x32xf32, #tpu.memory_space<vmem>>
        %dma_start3A_561 = tpu.memref_squeeze %dma_start3A_560 : memref<1x128x32xf32, #tpu.memory_space<vmem>> -> memref<128x32xf32, #tpu.memory_space<vmem>>
        %dma_start3A_562 = arith.constant 0 : i32
        %dma_start3A_563 = tpu.memref_slice %arg7[%add3A_557, %dma_start3A_562] : memref<200x128xi32, #tpu.memory_space<vmem>> -> memref<1x128xi32, #tpu.memory_space<vmem>>
        %dma_start3A_564 = tpu.memref_squeeze %dma_start3A_563 : memref<1x128xi32, #tpu.memory_space<vmem>> -> memref<128xi32, #tpu.memory_space<vmem>>
        %dma_start3A_565 = arith.constant 0 : i32
        %dma_start3A_566 = arith.constant 0 : i32
        %dma_start3A_567 = tpu.memref_slice %arg3[%dma_start3A_565, %dma_start3A_566] : memref<1000000x32xf32, #tpu.memory_space<hbm>> -> memref<1000000x32xf32, #tpu.memory_space<hbm>>
        %dma_start3A_568 = tpu.memref_slice %arg11[%add3A_498] : memref<8x!tpu.dma_semaphore, #tpu.memory_space<semaphore_mem>> -> memref<1x!tpu.dma_semaphore, #tpu.memory_space<semaphore_mem>>
        %dma_start3A_569 = tpu.memref_squeeze %dma_start3A_568 : memref<1x!tpu.dma_semaphore, #tpu.memory_space<semaphore_mem>> -> memref<!tpu.dma_semaphore, #tpu.memory_space<semaphore_mem>>
        tpu.enqueue_indirect_dma source(%dma_start3A_567 : memref<1000000x32xf32, #tpu.memory_space<hbm>>) target(%dma_start3A_561 : memref<128x32xf32, #tpu.memory_space<vmem>>) offsets(%dma_start3A_564 : memref<128xi32, #tpu.memory_space<vmem>>) semaphore(%dma_start3A_569 : memref<!tpu.dma_semaphore, #tpu.memory_space<semaphore_mem>>)
      } else {
      }
      %mul3A_530 = arith.constant 4 : i32
      %mul3A_531 = arith.muli %mul3A_530, %scan3A_348 : i32
      %dma_start3A_532 = arith.constant 0 : i32
      %dma_start3A_533 = arith.constant 0 : i32
      %dma_start3A_534 = arith.constant 0 : i32
      %dma_start3A_535 = arith.constant 0 : i32
      %dma_start3A_536 = tpu.memref_slice %arg10[%rem3A_350, %dma_start3A_532, %dma_start3A_533, %dma_start3A_534, %dma_start3A_535] : memref<2x4x4x8x129xf32, #tpu.memory_space<vmem>> -> memref<1x4x4x8x128xf32, #tpu.memory_space<vmem>>
      %dma_start3A_537 = tpu.memref_squeeze %dma_start3A_536 : memref<1x4x4x8x128xf32, #tpu.memory_space<vmem>> -> memref<4x4x8x128xf32, #tpu.memory_space<vmem>>
      %dma_start3A_538 = arith.constant 0 : i32
      %dma_start3A_539 = arith.constant 0 : i32
      %dma_start3A_540 = arith.constant 0 : i32
      %dma_start3A_541 = tpu.memref_slice %arg5[%mul3A_531, %dma_start3A_538, %add3A, %dma_start3A_539, %dma_start3A_540] : memref<200x4x32x8x128xf32, #tpu.memory_space<hbm>> -> memref<4x4x1x8x128xf32, #tpu.memory_space<hbm>>
      %dma_start3A_542 = tpu.memref_squeeze %dma_start3A_541 : memref<4x4x1x8x128xf32, #tpu.memory_space<hbm>> -> memref<4x4x8x128xf32, #tpu.memory_space<hbm>>
      %dma_start3A_543 = tpu.memref_slice %arg12[%rem3A_350] : memref<2x!tpu.dma_semaphore, #tpu.memory_space<semaphore_mem>> -> memref<1x!tpu.dma_semaphore, #tpu.memory_space<semaphore_mem>>
      %dma_start3A_544 = tpu.memref_squeeze %dma_start3A_543 : memref<1x!tpu.dma_semaphore, #tpu.memory_space<semaphore_mem>> -> memref<!tpu.dma_semaphore, #tpu.memory_space<semaphore_mem>>
      %dma_start3A_545 = arith.constant 0 : i32
      %dma_start3A_546 = arith.constant 0 : i32
      %dma_start3A_547 = arith.constant 0 : i32
      %dma_start3A_548 = tpu.memref_slice %arg5[%mul3A_531, %dma_start3A_545, %add3A, %dma_start3A_546, %dma_start3A_547] : memref<200x4x32x8x128xf32, #tpu.memory_space<hbm>> -> memref<4x4x1x8x128xf32, #tpu.memory_space<hbm>>
      %dma_start3A_549 = tpu.memref_squeeze %dma_start3A_548 : memref<4x4x1x8x128xf32, #tpu.memory_space<hbm>> -> memref<4x4x8x128xf32, #tpu.memory_space<hbm>>
      %dma_start3A_550 = arith.constant 0 : i32
      %dma_start3A_551 = arith.constant 0 : i32
      %dma_start3A_552 = arith.constant 0 : i32
      %dma_start3A_553 = arith.constant 0 : i32
      %dma_start3A_554 = tpu.memref_slice %arg10[%rem3A_350, %dma_start3A_550, %dma_start3A_551, %dma_start3A_552, %dma_start3A_553] : memref<2x4x4x8x129xf32, #tpu.memory_space<vmem>> -> memref<1x4x4x8x128xf32, #tpu.memory_space<vmem>>
      %dma_start3A_555 = tpu.memref_squeeze %dma_start3A_554 : memref<1x4x4x8x128xf32, #tpu.memory_space<vmem>> -> memref<4x4x8x128xf32, #tpu.memory_space<vmem>>
      tpu.enqueue_dma source(%dma_start3A_555 : memref<4x4x8x128xf32, #tpu.memory_space<vmem>>) target(%dma_start3A_549 : memref<4x4x8x128xf32, #tpu.memory_space<hbm>>) target_semaphore(%dma_start3A_544 : memref<!tpu.dma_semaphore, #tpu.memory_space<semaphore_mem>>)
    }
    %scan3A_290 = arith.constant 50 : i32
    %dma_wait3A = arith.constant 0 : i32
    %dma_wait3A_291 = arith.constant 0 : i32
    %dma_wait3A_292 = arith.constant 0 : i32
    %dma_wait3A_293 = arith.constant 0 : i32
    %dma_wait3A_294 = arith.constant 0 : i32
    %dma_wait3A_295 = arith.constant 0 : i32
    %dma_wait3A_296 = arith.constant 0 : i32
    %dma_wait3A_297 = tpu.memref_slice %arg10[%dma_wait3A, %dma_wait3A_293, %dma_wait3A_294, %dma_wait3A_295, %dma_wait3A_296] : memref<2x4x4x8x129xf32, #tpu.memory_space<vmem>> -> memref<1x4x4x8x128xf32, #tpu.memory_space<vmem>>
    %dma_wait3A_298 = tpu.memref_squeeze %dma_wait3A_297 : memref<1x4x4x8x128xf32, #tpu.memory_space<vmem>> -> memref<4x4x8x128xf32, #tpu.memory_space<vmem>>
    %dma_wait3A_299 = arith.constant 0 : i32
    %dma_wait3A_300 = arith.constant 0 : i32
    %dma_wait3A_301 = arith.constant 0 : i32
    %dma_wait3A_302 = arith.constant 0 : i32
    %dma_wait3A_303 = tpu.memref_slice %arg5[%dma_wait3A_299, %dma_wait3A_300, %dma_wait3A_291, %dma_wait3A_301, %dma_wait3A_302] : memref<200x4x32x8x128xf32, #tpu.memory_space<hbm>> -> memref<4x4x1x8x128xf32, #tpu.memory_space<hbm>>
    %dma_wait3A_304 = tpu.memref_squeeze %dma_wait3A_303 : memref<4x4x1x8x128xf32, #tpu.memory_space<hbm>> -> memref<4x4x8x128xf32, #tpu.memory_space<hbm>>
    %dma_wait3A_305 = tpu.memref_slice %arg12[%dma_wait3A_292] : memref<2x!tpu.dma_semaphore, #tpu.memory_space<semaphore_mem>> -> memref<1x!tpu.dma_semaphore, #tpu.memory_space<semaphore_mem>>
    %dma_wait3A_306 = tpu.memref_squeeze %dma_wait3A_305 : memref<1x!tpu.dma_semaphore, #tpu.memory_space<semaphore_mem>> -> memref<!tpu.dma_semaphore, #tpu.memory_space<semaphore_mem>>
    %dma_wait3A_307 = arith.constant 0 : i32
    %dma_wait3A_308 = arith.constant 0 : i32
    %dma_wait3A_309 = arith.constant 0 : i32
    %dma_wait3A_310 = arith.constant 0 : i32
    %dma_wait3A_311 = tpu.memref_slice %arg5[%dma_wait3A_307, %dma_wait3A_308, %dma_wait3A_291, %dma_wait3A_309, %dma_wait3A_310] : memref<200x4x32x8x128xf32, #tpu.memory_space<hbm>> -> memref<4x4x1x8x128xf32, #tpu.memory_space<hbm>>
    %dma_wait3A_312 = tpu.memref_squeeze %dma_wait3A_311 : memref<4x4x1x8x128xf32, #tpu.memory_space<hbm>> -> memref<4x4x8x128xf32, #tpu.memory_space<hbm>>
    %dma_wait3A_313 = arith.constant 0 : i32
    %dma_wait3A_314 = arith.constant 0 : i32
    %dma_wait3A_315 = arith.constant 0 : i32
    %dma_wait3A_316 = arith.constant 0 : i32
    %dma_wait3A_317 = tpu.memref_slice %arg10[%dma_wait3A, %dma_wait3A_313, %dma_wait3A_314, %dma_wait3A_315, %dma_wait3A_316] : memref<2x4x4x8x129xf32, #tpu.memory_space<vmem>> -> memref<1x4x4x8x128xf32, #tpu.memory_space<vmem>>
    %dma_wait3A_318 = tpu.memref_squeeze %dma_wait3A_317 : memref<1x4x4x8x128xf32, #tpu.memory_space<vmem>> -> memref<4x4x8x128xf32, #tpu.memory_space<vmem>>
    tpu.wait_dma2 semaphore(%dma_wait3A_306 : memref<!tpu.dma_semaphore, #tpu.memory_space<semaphore_mem>>) src(%dma_wait3A_318 : memref<4x4x8x128xf32, #tpu.memory_space<vmem>>) dst(%dma_wait3A_312 : memref<4x4x8x128xf32, #tpu.memory_space<hbm>>)
    %dma_wait3A_319 = arith.constant 1 : i32
    %dma_wait3A_320 = arith.constant 0 : i32
    %dma_wait3A_321 = arith.constant 1 : i32
    %dma_wait3A_322 = arith.constant 0 : i32
    %dma_wait3A_323 = arith.constant 0 : i32
    %dma_wait3A_324 = arith.constant 0 : i32
    %dma_wait3A_325 = arith.constant 0 : i32
    %dma_wait3A_326 = tpu.memref_slice %arg10[%dma_wait3A_319, %dma_wait3A_322, %dma_wait3A_323, %dma_wait3A_324, %dma_wait3A_325] : memref<2x4x4x8x129xf32, #tpu.memory_space<vmem>> -> memref<1x4x4x8x128xf32, #tpu.memory_space<vmem>>
    %dma_wait3A_327 = tpu.memref_squeeze %dma_wait3A_326 : memref<1x4x4x8x128xf32, #tpu.memory_space<vmem>> -> memref<4x4x8x128xf32, #tpu.memory_space<vmem>>
    %dma_wait3A_328 = arith.constant 0 : i32
    %dma_wait3A_329 = arith.constant 0 : i32
    %dma_wait3A_330 = arith.constant 0 : i32
    %dma_wait3A_331 = arith.constant 0 : i32
    %dma_wait3A_332 = tpu.memref_slice %arg5[%dma_wait3A_328, %dma_wait3A_329, %dma_wait3A_320, %dma_wait3A_330, %dma_wait3A_331] : memref<200x4x32x8x128xf32, #tpu.memory_space<hbm>> -> memref<4x4x1x8x128xf32, #tpu.memory_space<hbm>>
    %dma_wait3A_333 = tpu.memref_squeeze %dma_wait3A_332 : memref<4x4x1x8x128xf32, #tpu.memory_space<hbm>> -> memref<4x4x8x128xf32, #tpu.memory_space<hbm>>
    %dma_wait3A_334 = tpu.memref_slice %arg12[%dma_wait3A_321] : memref<2x!tpu.dma_semaphore, #tpu.memory_space<semaphore_mem>> -> memref<1x!tpu.dma_semaphore, #tpu.memory_space<semaphore_mem>>
    %dma_wait3A_335 = tpu.memref_squeeze %dma_wait3A_334 : memref<1x!tpu.dma_semaphore, #tpu.memory_space<semaphore_mem>> -> memref<!tpu.dma_semaphore, #tpu.memory_space<semaphore_mem>>
    %dma_wait3A_336 = arith.constant 0 : i32
    %dma_wait3A_337 = arith.constant 0 : i32
    %dma_wait3A_338 = arith.constant 0 : i32
    %dma_wait3A_339 = arith.constant 0 : i32
    %dma_wait3A_340 = tpu.memref_slice %arg5[%dma_wait3A_336, %dma_wait3A_337, %dma_wait3A_320, %dma_wait3A_338, %dma_wait3A_339] : memref<200x4x32x8x128xf32, #tpu.memory_space<hbm>> -> memref<4x4x1x8x128xf32, #tpu.memory_space<hbm>>
    %dma_wait3A_341 = tpu.memref_squeeze %dma_wait3A_340 : memref<4x4x1x8x128xf32, #tpu.memory_space<hbm>> -> memref<4x4x8x128xf32, #tpu.memory_space<hbm>>
    %dma_wait3A_342 = arith.constant 0 : i32
    %dma_wait3A_343 = arith.constant 0 : i32
    %dma_wait3A_344 = arith.constant 0 : i32
    %dma_wait3A_345 = arith.constant 0 : i32
    %dma_wait3A_346 = tpu.memref_slice %arg10[%dma_wait3A_319, %dma_wait3A_342, %dma_wait3A_343, %dma_wait3A_344, %dma_wait3A_345] : memref<2x4x4x8x129xf32, #tpu.memory_space<vmem>> -> memref<1x4x4x8x128xf32, #tpu.memory_space<vmem>>
    %dma_wait3A_347 = tpu.memref_squeeze %dma_wait3A_346 : memref<1x4x4x8x128xf32, #tpu.memory_space<vmem>> -> memref<4x4x8x128xf32, #tpu.memory_space<vmem>>
    tpu.wait_dma2 semaphore(%dma_wait3A_335 : memref<!tpu.dma_semaphore, #tpu.memory_space<semaphore_mem>>) src(%dma_wait3A_347 : memref<4x4x8x128xf32, #tpu.memory_space<vmem>>) dst(%dma_wait3A_341 : memref<4x4x8x128xf32, #tpu.memory_space<hbm>>)
    return
  }
}

</mosaic_0001>

<sc_bundles>
// kernel: kernel.3.cloned.1.call-start
scs
__scs_entry_jumppad:
0x0: {  	(pc) =	sbr.rel $0x88, $3  }
0x1: {  	(tag) =	ssettag $0x0;
	lr =	simm.s32 $0x1  }
0x2: {  	[smem:$0x3F9E] =	sst lr;
	_ =	strace $0xD0000000  }
0x3: {  	_ = 	snop  }
0x4: {  	_ = 	snop  }
0x5: {  	_ = 	snop  }
0x6: {  	_ = 	snop  }
0x7: {  	_ = 	snop  }
__scs_overlays_trampoline_lowered:
0x8: {  	[smem:$0x3FAD] =	sst s0  }
0x9: {  	[smem:$0x3FAE] =	sst s1  }
0xa: {  	[smem:$0x3FAF] =	sst s2  }
0xb: {  	[smem:$0x3FB0] =	sst s3  }
0xc: {  	[smem:$0x3FB1] =	sst s4  }
0xd: {  	[smem:$0x3FB2] =	sst s5  }
0xe: {  	[smem:$0x3FB3] =	sst s6  }
0xf: {  	[smem:$0x3FB4] =	sst s7  }
0x10: {  	[smem:$0x3FB5] =	sst s8  }
0x11: {  	[smem:$0x3FB6] =	sst s9;
	s0 =	simm.s32 @!p0 $0x0  }
0x12: {  	s1 =	sld [smem:$0x3F9C];
	s0 =	simm.s32 @p0 $0x1  }
0x13: {  	[smem:$0x3FB7] =	sst s0;
	s0 =	simm.s32 @!p1 $0x0  }
0x14: {  	s2 =	sld [smem:$0x3F9B];
	s0 =	simm.s32 @p1 $0x1  }
0x15: {  	[smem:$0x3FB8] =	sst s0;
	s0 =	simm.s32 @!p2 $0x0  }
0x16: {  	s3 =	sld [smem:$0x3FDB];
	s0 =	simm.s32 @p2 $0x1  }
0x17: {  	s4 =	simm.s32 $0x1BF5;
	[smem:$0x3FBA] =	sst s0  }
0x18: {  	s0 =	sld [smem:$0x3F9D];
	_ =	swait.ge [sflag:s4], $0x0  }
0x19: {  	s7 =	sld [smem:$0x3F9E]  }
0x1a: {  	s8 =	sadd.s32 $0xFFFFE003, lr  }
0x1b: {  	s9 =	sadd.s32 $0xFFFFFEF7, lr;
	s5 =	simm.s32 $0xFFFFFFFF;
	p2 =	slt.u32 s8, $0xFFFFF086  }
0x1c: {  	p1 =	slt.u32 s9, $0xF7A;
	s5 =	simm.s32 @!p2 $0x0  }
0x1d: {  	s5 =	simm.s32 @p1 $0x1;
	p0 =	seq.s32 s7, s2  }
0x1e: {  	s7 =	smul.u32 @!p0 $0xF7A, s2;
	p2 =	seq.s32 @!p0 s5, $0x0  }
0x1f: {  	s9 =	smul.u32 $0xF7A, s1;
	s8 =	simm.s32 @!p0 $0x1BF5;
	p2 =	por !p2, p0  }
0x20: {  	[sflag:s8] =	ssyncset.s32 @!p0 $0xFFFFF086;
	s6 =	sadd.s32 @!p0 s3, s7;
	s7 =	simm.s32 @!p0 $0x108  }
0x21: {  	s3 =	sadd.s32 s3, s9;
	s6 =	sadd.s32 @!p0 $0x88, s6;
	s7 =	simm.s32 @p2 $0x1082  }
0x22: {  	[simem:s7], [sflag:s8] =	dma.local @!p0 [hbm:s6], $0xF7A  }
0x23: {  	s9 =	sor.u32 $0xD0000000, s2;
	s6 =	simm.s32 $0x108;
	_ =	swait.ge @!p0 [sflag:s8], $0x0  }
0x24: {  	s3 =	sadd.s32 $0x88, s3;
	s6 =	simm.s32 @!p1 $0x1082;
	[sflag:s4] =	ssyncset.s32 $0xFFFFF086  }
0x25: {  	[simem:s6], [sflag:s4] =	dma.local [hbm:s3], $0xF7A  }
0x26: {  	[smem:$0x3F9E] =	sst s1;
	(tag) =	ssettag s2;
	_ =	strace s9  }
0x27: {  	s1 =	sld [smem:$0x3FAE]  }
0x28: {  	s2 =	sld [smem:$0x3FAF]  }
0x29: {  	s4 =	sld [smem:$0x3FB1]  }
0x2a: {  	p0 =	seq.s32 s5, $0x0;
	s5 =	sld [smem:$0x3FB2]  }
0x2b: {  	s6 =	sld [smem:$0x3FB3]  }
0x2c: {  	s7 =	sld [smem:$0x3FB4]  }
0x2d: {  	s3 =	simm.s32 $0x108;
	s8 =	sld [smem:$0x3FB5]  }
0x2e: {  	s3 =	simm.s32 @!p0 $0x1082;
	s9 =	sld [smem:$0x3FB6]  }
0x2f: {  	lr =	sadd.s32 s0, s3;
	s0 =	sld [smem:$0x3FAD]  }
0x30: {  	s3 =	sld [smem:$0x3FB0]  }
0x31: {  	[smem:$0x3FB9] =	sst s10  }
0x32: {  	s10 =	sld [smem:$0x3FB7];
	_ =	sdelay $0x3  }
0x33: {  	p0 =	seq.s32 s10, $0x1;
	s10 =	sld [smem:$0x3FB9];
	_ =	sdelay $0x3  }
0x34: {  	[smem:$0x3FB9] =	sst s10  }
0x35: {  	s10 =	sld [smem:$0x3FB8];
	_ =	sdelay $0x3  }
0x36: {  	p1 =	seq.s32 s10, $0x1;
	s10 =	sld [smem:$0x3FB9];
	_ =	sdelay $0x3  }
0x37: {  	[smem:$0x3FB9] =	sst s10  }
0x38: {  	s10 =	sld [smem:$0x3FBA]  }
0x39: {  	_ = 	snop;
	(pc) =	sbr.ind lr, $3  }
0x3a: {  	_ = 	snop  }
0x3b: {  	_ = 	snop  }
0x3c: {  	p2 =	seq.s32 s10, $0x1;
	s10 =	sld [smem:$0x3FB9]  }
0x3d: {  	_ =	shalt  }
0x3e: {  	_ =	shalt  }
0x3f: {  	_ =	shalt  }
0x40: {  	_ =	shalt  }
0x41: {  	_ =	shalt  }
0x42: {  	_ =	shalt  }
0x43: {  	_ =	shalt  }
0x44: {  	_ =	shalt  }
0x45: {  	_ =	shalt  }
0x46: {  	_ =	shalt  }
0x47: {  	_ =	shalt  }
0x48: {  	_ =	shalt  }
0x49: {  	_ =	shalt  }
0x4a: {  	_ =	shalt  }
0x4b: {  	_ =	shalt  }
0x4c: {  	_ =	shalt  }
0x4d: {  	_ =	shalt  }
0x4e: {  	_ =	shalt  }
0x4f: {  	_ =	shalt  }
0x50: {  	_ =	shalt  }
0x51: {  	_ =	shalt  }
0x52: {  	_ =	shalt  }
0x53: {  	_ =	shalt  }
0x54: {  	_ =	shalt  }
0x55: {  	_ =	shalt  }
0x56: {  	_ =	shalt  }
0x57: {  	_ =	shalt  }
0x58: {  	_ =	shalt  }
0x59: {  	_ =	shalt  }
0x5a: {  	_ =	shalt  }
0x5b: {  	_ =	shalt  }
0x5c: {  	_ =	shalt  }
0x5d: {  	_ =	shalt  }
0x5e: {  	_ =	shalt  }
0x5f: {  	_ =	shalt  }
0x60: {  	_ =	shalt  }
0x61: {  	_ =	shalt  }
0x62: {  	_ =	shalt  }
0x63: {  	_ =	shalt  }
0x64: {  	_ =	shalt  }
0x65: {  	_ =	shalt  }
0x66: {  	_ =	shalt  }
0x67: {  	_ =	shalt  }
0x68: {  	_ =	shalt  }
0x69: {  	_ =	shalt  }
0x6a: {  	_ =	shalt  }
0x6b: {  	_ =	shalt  }
0x6c: {  	_ =	shalt  }
0x6d: {  	_ =	shalt  }
0x6e: {  	_ =	shalt  }
0x6f: {  	_ =	shalt  }
0x70: {  	_ =	shalt  }
0x71: {  	_ =	shalt  }
0x72: {  	_ =	shalt  }
0x73: {  	_ =	shalt  }
0x74: {  	_ =	shalt  }
0x75: {  	_ =	shalt  }
0x76: {  	_ =	shalt  }
0x77: {  	_ =	shalt  }
0x78: {  	_ =	shalt  }
0x79: {  	_ =	shalt  }
0x7a: {  	_ =	shalt  }
0x7b: {  	_ =	shalt  }
0x7c: {  	_ =	shalt  }
0x7d: {  	_ =	shalt  }
0x7e: {  	_ =	shalt  }
0x7f: {  	_ =	shalt  }
0x80: {  	_ =	shalt  }
0x81: {  	_ =	shalt  }
0x82: {  	_ =	shalt  }
0x83: {  	_ =	shalt  }
0x84: {  	_ =	shalt  }
0x85: {  	_ =	shalt  }
0x86: {  	_ =	shalt  }
0x87: {  	_ =	shalt  }
.Lfunc_end0:
.L_simem_size_0:
called_computation_lowered:
.L_overlay_start_0:
0x88: {  	s2 =	sld [smem:$0x3FD9]  }
0x89: {  	s3 =	sld [smem:$0x3FFE];
	_ =	sdelay $0x1  }
0x8a: {  	s1 =	srdreg.scid  }
0x8b: {  	s0 =	sand.u32 $0x1, s1  }
0x8c: {  	s17 =	sshll.u32 s0, $0xA;
	s2 =	sadd.s32 s3, s2  }
0x8d: {  	s2 =	sadd.s32 s2, s17  }
0x8e: {  	[smem:$0x3FC5] =	sst s2  }
0x8f: {  	_ = 	snop  }
0x90: {  	s2 =	sld [smem:$0x3FD0];
	(tm) =	ssettm $0x1  }
0x91: {  	s18 =	sld [smem:$0x3FFB];
	_ =	sdelay $0x3  }
0x92: {  	_ =	strace s18  }
0x93: {  	s3 =	sld [smem:$0x3FFC];
	_ =	sdelay $0x3  }
0x94: {  	_ =	strace s3  }
0x95: {  	s3 =	sld [smem:$0x3FFD];
	_ =	sdelay $0x3  }
0x96: {  	_ =	strace s3  }
0x97: {  	_ =	strace $0x8FFFFFFF  }
0x98: {  	s19 =	sld [smem:$0x3FDB];
	_ =	sdelay $0x1  }
0x99: {  	s4 =	simm.s32 $_scs_section_size  }
0x9a: {  	s5 =	simm.s32 $_size__tile_overlayer_lowered;
	s6 =	simm.s32 $_tile_overlayer_lowered  }
0x9b: {  	s22 =	simm.s32 $0x1BFF;
	s21 =	sshll.u32 s6, $0x1;
	s3 =	sadd.s32 s4, s19  }
0x9c: {  	s7 =	simm.s32 $0x0;
	s20 =	sshll.u32 s5, $0x1;
	s5 =	sadd.s32 s21, s3  }
0x9d: {  	[timem:s7], [sflag:s22] =	dma.local [hbm:s5], s20  }
0x9e: {  	_ =	swait.ge [sflag:s22], s20  }
0x9f: {  	s4 =	ssub.s32 $0x0, s20;
	[sflag:s22] =	ssyncset.done $0x0  }
0xa0: {  	[sflag:s22] =	ssyncadd.s32 s4;
	_ =	sdelay $0x1  }
0xa1: {  	s23 =	simm.s32 $0x1B8B  }
0xa2: {  	_ =	swait.ge [sflag:s23], $0x1  }
0xa3: {  	[sflag:s23] =	ssyncset.done $0x0  }
0xa4: {  	s25 =	simm.s32 $0x1B8E;
	s24 =	sld [smem:$0x3FFE];
	[sflag:s23] =	ssyncadd.s32 $0xFFFFFFFF  }
0xa5: {  	s26 =	simm.s32 $execute0_lowered;
	[smem:$0x3FD2] =	sst s25  }
0xa6: {  	s5 =	sshll.u32 s26, $0x1;
	_ =	strace $0x80000046;
	[dreg:$0x1] =	wrdreg $0xFFFFFFFF  }
0xa7: {  	s28 =	simm.s32 $_size_execute0_lowered;
	s3 =	sadd.s32 s3, s5;
	[dreg:$0x0] =	wrdreg $0x0  }
0xa8: {  	s5 =	sshll.u32 s28, $0x1;
	[dreg:$0x2] =	wrdreg s3  }
0xa9: {  	[dreg:$0x3] =	wrdreg s5  }
0xaa: {  	[dreg:$0x4] =	wrdreg $0xC0  }
0xab: {  	_ =	task [dreg:s7], $0x5FFFF  }
0xac: {  	[dreg:$0x1] =	wrdreg $0xFFFFFFFF  }
0xad: {  	[dreg:$0x0] =	wrdreg $0x60  }
0xae: {  	[dreg:$0x2] =	wrdreg s24  }
0xaf: {  	[dreg:$0x3] =	wrdreg s2  }
0xb0: {  	[dreg:$0x4] =	wrdreg $0x9  }
0xb1: {  	_ =	task.clear_ibuf [dreg:s7], $0x5FFFF;
	_ =	strace $0x90000046  }
0xb2: {  	s29 =	simm.s32 $0x9;
	_ =	strace $0x80000048  }
0xb3: {  	_ =	swait.ge [sflag:s29], $0x1  }
0xb4: {  	[sflag:s29] =	ssyncadd.s32 $0xFFFFFFFF  }
0xb5: {  	_ =	strace $0x90000048  }
0xb6: {  	_ =	sfence  }
0xb7: {  	s30 =	sld [smem:$0x0];
	_ =	sdelay $0x2  }
0xb8: {  	s31 =	sshll.u32 s1, $0xD;
	s1 =	sshrl.u32 s1, $0x2  }
0xb9: {  	s3 =	sand.u32 $0x4000, s31;
	s1 =	sadd.s32 s1, s30  }
0xba: {  	s0 =	sor.u32 s3, s0;
	s1 =	sshll.u32 s1, $0x11  }
0xbb: {  	s0 =	sor.u32 s1, s0  }
0xbc: {  	s0 =	sadd.s32 $0x8F2B, s0  }
0xbd: {  	[sflag:s0] =	ssyncadd.remote.s32 $0x1  }
0xbe: {  	_ =	sfence.sel $0xFFFF  }
0xbf: {  	[dreg:$0x0] =	wrdreg $0xFFFFFFFF;
	(pc) =	sbr.abs _section_cstart, $3  }
0xc0: {  	[dreg:$0x1] =	wrdreg $0xFFFFFFFF  }
0xc1: {  	_ =	task.clear_ibuf [dreg:s7], $0x2FFFF;
	_ =	strace $0x9FFFFFFF  }
0xc2: {  	(tm) =	ssettm $0x7FFFFFFF  }
0xc3: {  	_ =	shalt  }
tec
execute0_lowered:
.L_overlay_start_1:
0x0: {  	(tag) =	ssettag $0x1  }
0x1: {  	v6 =	vlaneseq.u32  }
0x2: {  	s0 =	rddreg [dreg:$0x0];
	s1 =	srdreg.scid;
	v0 =	vmul.u32 $0xC8, v6  }
0x3: {  	s2 =	stileid.u32;
	s6 =	rddreg [dreg:$0x1];
	v9 =	vimm.s32 $0x0;
	vm0 =	vcmask $0x300  }
0x4: {  	s9 =	simm.s32 $0xB;
	s11 =	simm.s32 $0x80;
	s28 =	simm.s32 $0x15100;
	v6 =	vmul.u32 $0x88, v6;
	v9 =	vsel vm0, $0x3, v9;
	v1 =	vadd.s32 $0xC80, v0  }
0x5: {  	s29 =	simm.s32 $0x9;
	s30 =	simm.s32 $0xA;
	s31 =	simm.s32 $0x0;
	v2 =	vadd.s32 $0x1900, v0;
	v3 =	vadd.s32 $0x2580, v0;
	v4 =	vadd.s32 $0x3200, v0  }
0x6: {  	s1 =	sand.u32 $0x1, s1;
	s3 =	sshll.u32 s2, $0x1;
	s2 =	simm.s32 $0x0;
	v5 =	vadd.s32 $0x3E80, v0;
	v7 =	vadd.s32 $0x4B00, v0;
	v8 =	vadd.s32 $0x5780, v0  }
0x7: {  	s4 =	sadd.s32 $0x19800, s0;
	s5 =	sor.u32 s1, s3;
	[smem:$0x7FF] =	sst s2;
	v10 =	vadd.s32 $0x880, v6;
	v11 =	vor.u32 $0x1, v6;
	v12 =	vadd.s32 $0x881, v6  }
0x8: {  	s1 =	ssub.s32 $0x2, s1;
	s3 =	smul.u32 $0xC80, s5;
	s8 =	sshll.u32 s5, $0x7;
	v13 =	vor.u32 $0x2, v6;
	v14 =	vadd.s32 $0x882, v6;
	v15 =	vor.u32 $0x3, v6  }
0x9: {  	_ =	strace $0x80000047;
	s26 =	sshrl.u32 s1, $0x1;
	v16 =	vadd.s32 $0x883, v6;
	v17 =	vor.u32 $0x4, v6;
	v18 =	vadd.s32 $0x884, v6;
	s6 =	sadd.s32 s6, s8  }
0xa: {  	v19 =	vor.u32 $0x5, v6;
	v20 =	vadd.s32 $0x885, v6;
	v21 =	vor.u32 $0x6, v6;
	s7 =	sadd.s32 s3, s0;
	s3 =	sadd.s32 $0xF42C00, s0;
	s0 =	ssub.s32 s1, s26  }
0xb: {  	v22 =	vadd.s32 $0x886, v6;
	v23 =	vor.u32 $0x7, v6;
	v24 =	vadd.s32 $0x887, v6;
	s5 =	sadd.s32 $0x800, s7;
	s7 =	sadd.s32 $0x10000, s6;
	s8 =	smax.u32 s0, $0x1  }
.LBB2_1:
0xc: {  	[tilespmem:s2], [sflag:$0xB] =	stream.linear.gather [hbm4b:s5+s2], $0x6400, $0x38;
	[tilespmem:$0x1E900] =	vst v63  }
0xd: {  	v25 =	vmov s2;
	_ =	swait.ge [sflag:s9], $0x6400  }
0xe: {  	v25 =	vand.u32 $0xFF, v25;
	[sflag:s9] =	ssyncset.done $0x0  }
0xf: {  	s0 =	simm.s32 $0xC800;
	v26 =	vadd.s32 v0, v25;
	[sflag:s9] =	ssyncadd.s32 $0xFFFF9C00  }
0x10: {  	[tilespmem:s0], [sflag:$0xB] =	stream.linear.gather [hbm4b:s4+s2], $0x1900, $0x38;
	[tilespmem:$0x1E900] =	vst v63  }
0x11: {  	_ =	swait.ge [sflag:s9], $0x1900  }
0x12: {  	[sflag:s9] =	ssyncset.done $0x0  }
0x13: {  	[sflag:s9] =	ssyncadd.s32 $0xFFFFE700  }
0x14: {  	v26 =	vld.idx.msk [tilespmem:v26+s2+$0x0], $0xffff  }
0x15: {  	v27 =	vadd.s32 v1, v25;
	_ =	sdelay $0x2  }
0x16: {  	s0 =	simm.s32 $0x6440  }
0x17: {  	[tilespmem:s0+$0xFFFFFFC0] =	vst v26  }
0x18: {  	v26 =	vld.idx.msk [tilespmem:v27+s2+$0x0], $0xffff  }
0x19: {  	v27 =	vadd.s32 v2, v25;
	_ =	sdelay $0x3  }
0x1a: {  	[tilespmem:s0+$0xFFFFFFD0] =	vst v26  }
0x1b: {  	v26 =	vld.idx.msk [tilespmem:v27+s2+$0x0], $0xffff  }
0x1c: {  	v27 =	vadd.s32 v3, v25;
	_ =	sdelay $0x3  }
0x1d: {  	[tilespmem:s0+$0xFFFFFFE0] =	vst v26  }
0x1e: {  	v26 =	vld.idx.msk [tilespmem:v27+s2+$0x0], $0xffff  }
0x1f: {  	v27 =	vadd.s32 v4, v25;
	_ =	sdelay $0x3  }
0x20: {  	[tilespmem:s0+$0xFFFFFFF0] =	vst v26  }
0x21: {  	v26 =	vld.idx.msk [tilespmem:v27+s2+$0x0], $0xffff  }
0x22: {  	v27 =	vadd.s32 v5, v25;
	_ =	sdelay $0x3  }
0x23: {  	[tilespmem:s0+$0x0] =	vst v26  }
0x24: {  	v26 =	vld.idx.msk [tilespmem:v27+s2+$0x0], $0xffff  }
0x25: {  	v27 =	vadd.s32 v7, v25;
	_ =	sdelay $0x3  }
0x26: {  	[tilespmem:s0+$0x10] =	vst v26  }
0x27: {  	v26 =	vld.idx.msk [tilespmem:v27+s2+$0x0], $0xffff  }
0x28: {  	v25 =	vadd.s32 v8, v25;
	_ =	sdelay $0x3  }
0x29: {  	s1 =	simm.s32 $0x1;
	[tilespmem:s0+$0x20] =	vst v26  }
0x2a: {  	v26 =	vmov s1;
	s1 =	simm.s32 $0x2;
	v25 =	vld.idx.msk [tilespmem:v25+s2+$0x0], $0xffff  }
.LBB2_2:
0x2b: {  	p0 =	sne.s32 s1, $0xC7;
	v26 =	vand.u32 $0xFF, v26  }
0x2c: {  	v27 =	vadd.s32 v0, v26;
	_ =	sdelay $0x3  }
0x2d: {  	[tilespmem:s0+$0x30] =	vst v25  }
0x2e: {  	v25 =	vld.idx.msk [tilespmem:v27+s2+$0x0], $0xffff;
	_ =	sdelay $0x1  }
0x2f: {  	v27 =	vadd.s32 v1, v26;
	_ =	sdelay $0x2  }
0x30: {  	s0 =	sadd.s32 $0x80, s0  }
0x31: {  	[tilespmem:s0+$0xFFFFFFC0] =	vst v25  }
0x32: {  	v25 =	vld.idx.msk [tilespmem:v27+s2+$0x0], $0xffff;
	_ =	sdelay $0x1  }
0x33: {  	v27 =	vadd.s32 v2, v26;
	_ =	sdelay $0x3  }
0x34: {  	[tilespmem:s0+$0xFFFFFFD0] =	vst v25  }
0x35: {  	v25 =	vld.idx.msk [tilespmem:v27+s2+$0x0], $0xffff;
	_ =	sdelay $0x1  }
0x36: {  	v27 =	vadd.s32 v3, v26;
	_ =	sdelay $0x3  }
0x37: {  	[tilespmem:s0+$0xFFFFFFE0] =	vst v25  }
0x38: {  	v25 =	vld.idx.msk [tilespmem:v27+s2+$0x0], $0xffff;
	_ =	sdelay $0x1  }
0x39: {  	v27 =	vadd.s32 v4, v26;
	_ =	sdelay $0x3  }
0x3a: {  	[tilespmem:s0+$0xFFFFFFF0] =	vst v25  }
0x3b: {  	v25 =	vld.idx.msk [tilespmem:v27+s2+$0x0], $0xffff;
	_ =	sdelay $0x1  }
0x3c: {  	v27 =	vadd.s32 v5, v26;
	_ =	sdelay $0x3  }
0x3d: {  	[tilespmem:s0+$0x0] =	vst v25  }
0x3e: {  	v25 =	vld.idx.msk [tilespmem:v27+s2+$0x0], $0xffff;
	_ =	sdelay $0x1  }
0x3f: {  	v27 =	vadd.s32 v7, v26;
	_ =	sdelay $0x3  }
0x40: {  	[tilespmem:s0+$0x10] =	vst v25  }
0x41: {  	v25 =	vld.idx.msk [tilespmem:v27+s2+$0x0], $0xffff;
	_ =	sdelay $0x1  }
0x42: {  	v27 =	vadd.s32 v8, v26  }
.Ltmp0:
0x43: {  	(pc) =	sbr.rel @p0 .LBB2_2-.Ltmp0, $3  }
0x44: {  	_ =	sdelay $0x1  }
0x45: {  	[tilespmem:s0+$0x20] =	vst v25  }
0x46: {  	v26 =	vmov s1;
	s1 =	sadd.s32 $0x1, s1;
	v25 =	vld.idx.msk [tilespmem:v27+s2+$0x0], $0xffff  }
0x47: {  	v26 =	vand.u32 $0xFF, v26  }
0x48: {  	v27 =	vadd.s32 v0, v26;
	_ =	sdelay $0x3  }
0x49: {  	[tilespmem:s0+$0x30] =	vst v25  }
0x4a: {  	v25 =	vld.idx.msk [tilespmem:v27+s2+$0x0], $0xffff  }
0x4b: {  	v27 =	vadd.s32 v1, v26;
	_ =	sdelay $0x2  }
0x4c: {  	s15 =	sadd.s32 $0x80, s0  }
0x4d: {  	[tilespmem:s15+$0xFFFFFFC0] =	vst v25  }
0x4e: {  	v25 =	vld.idx.msk [tilespmem:v27+s2+$0x0], $0xffff  }
0x4f: {  	v27 =	vadd.s32 v2, v26;
	_ =	sdelay $0x3  }
0x50: {  	[tilespmem:s15+$0xFFFFFFD0] =	vst v25  }
0x51: {  	v25 =	vld.idx.msk [tilespmem:v27+s2+$0x0], $0xffff  }
0x52: {  	v27 =	vadd.s32 v3, v26;
	_ =	sdelay $0x3  }
0x53: {  	[tilespmem:s15+$0xFFFFFFE0] =	vst v25  }
0x54: {  	v25 =	vld.idx.msk [tilespmem:v27+s2+$0x0], $0xffff  }
0x55: {  	v27 =	vadd.s32 v4, v26;
	_ =	sdelay $0x3  }
0x56: {  	[tilespmem:s15+$0xFFFFFFF0] =	vst v25  }
0x57: {  	v25 =	vld.idx.msk [tilespmem:v27+s2+$0x0], $0xffff  }
0x58: {  	v27 =	vadd.s32 v5, v26;
	_ =	sdelay $0x3  }
0x59: {  	[tilespmem:s15+$0x0] =	vst v25  }
0x5a: {  	v25 =	vld.idx.msk [tilespmem:v27+s2+$0x0], $0xffff  }
0x5b: {  	v27 =	vadd.s32 v7, v26;
	_ =	sdelay $0x3  }
0x5c: {  	[tilespmem:s15+$0x10] =	vst v25  }
0x5d: {  	v25 =	vld.idx.msk [tilespmem:v27+s2+$0x0], $0xffff  }
0x5e: {  	v26 =	vadd.s32 v8, v26;
	_ =	sdelay $0x3  }
0x5f: {  	[tilespmem:s15+$0x20] =	vst v25  }
0x60: {  	v25 =	vld.idx.msk [tilespmem:v26+s2+$0x0], $0xffff;
	_ =	sdelay $0x4  }
0x61: {  	s16 =	simm.s32 $0x6400;
	s1 =	simm.s32 $0xE100;
	[tilespmem:s15+$0x30] =	vst v25  }
0x62: {  	[tilespmem:s1], [sflag:$0x1] =	stream.indirect.gather [hbm4b:s3+s11], $0x20, s16, s11, $0xb8;
	[tilespmem:$0x1E900] =	vst v63  }
0x63: {  	s17 =	simm.s32 $0x6480;
	s18 =	simm.s32 $0xF100  }
0x64: {  	[tilespmem:s18], [sflag:$0x2] =	stream.indirect.gather [hbm4b:s3+s11], $0x20, s17, s11, $0xb8;
	[tilespmem:$0x1E900] =	vst v63  }
0x65: {  	s19 =	simm.s32 $0x6500;
	s20 =	simm.s32 $0x10100  }
0x66: {  	[tilespmem:s20], [sflag:$0x3] =	stream.indirect.gather [hbm4b:s3+s11], $0x20, s19, s11, $0xb8;
	[tilespmem:$0x1E900] =	vst v63  }
0x67: {  	s21 =	simm.s32 $0x6580;
	s22 =	simm.s32 $0x11100  }
0x68: {  	[tilespmem:s22], [sflag:$0x4] =	stream.indirect.gather [hbm4b:s3+s11], $0x20, s21, s11, $0xb8;
	[tilespmem:$0x1E900] =	vst v63  }
0x69: {  	s23 =	simm.s32 $0x6600;
	s24 =	simm.s32 $0x12100  }
0x6a: {  	[tilespmem:s24], [sflag:$0x5] =	stream.indirect.gather [hbm4b:s3+s11], $0x20, s23, s11, $0xb8;
	[tilespmem:$0x1E900] =	vst v63  }
0x6b: {  	s25 =	simm.s32 $0x6680;
	s26 =	simm.s32 $0x13100  }
0x6c: {  	[tilespmem:s26], [sflag:$0x6] =	stream.indirect.gather [hbm4b:s3+s11], $0x20, s25, s11, $0xb8;
	[tilespmem:$0x1E900] =	vst v63  }
0x6d: {  	s10 =	simm.s32 $0x6700;
	s12 =	simm.s32 $0x14100  }
0x6e: {  	[tilespmem:s12], [sflag:$0x7] =	stream.indirect.gather [hbm4b:s3+s11], $0x20, s10, s11, $0xb8;
	[tilespmem:$0x1E900] =	vst v63  }
0x6f: {  	s13 =	simm.s32 $0x6780  }
0x70: {  	[tilespmem:s28], [sflag:$0x8] =	stream.indirect.gather [hbm4b:s3+s11], $0x20, s13, s11, $0xb8;
	[tilespmem:$0x1E900] =	vst v63  }
0x71: {  	s14 =	simm.s32 $0x16100  }
0x72: {  	[hbm4b:s6+s2] =	stream.linear.scatter [tilespmem:s14], [sflag:$0x9], $0x80, $0x38;
	[tilespmem:$0x1E900] =	vst v63  }
0x73: {  	s15 =	simm.s32 $0x16188;
	s16 =	sadd.s32 $0x10, s6  }
0x74: {  	[hbm4b:s16+s2] =	stream.linear.scatter [tilespmem:s15], [sflag:$0x9], $0x80, $0x38;
	[tilespmem:$0x1E900] =	vst v63  }
0x75: {  	s0 =	simm.s32 $0x440;
	s17 =	simm.s32 $0x16210;
	s18 =	sadd.s32 $0x20, s6  }
0x76: {  	[hbm4b:s18+s2] =	stream.linear.scatter [tilespmem:s17], [sflag:$0x9], $0x80, $0x38;
	[tilespmem:$0x1E900] =	vst v63  }
0x77: {  	s1 =	sadd.s32 $0x1000, s6;
	s19 =	simm.s32 $0x16298;
	s20 =	sadd.s32 $0x30, s6  }
0x78: {  	[hbm4b:s20+s2] =	stream.linear.scatter [tilespmem:s19], [sflag:$0x9], $0x80, $0x38;
	[tilespmem:$0x1E900] =	vst v63  }
0x79: {  	s21 =	simm.s32 $0x16320;
	s22 =	sadd.s32 $0x40, s6;
	s23 =	simm.s32 $0x163A8  }
0x7a: {  	[hbm4b:s22+s2] =	stream.linear.scatter [tilespmem:s21], [sflag:$0x9], $0x80, $0x38;
	[tilespmem:$0x1E900] =	vst v63  }
0x7b: {  	s24 =	sadd.s32 $0x50, s6;
	s25 =	simm.s32 $0x16430;
	s26 =	sadd.s32 $0x60, s6  }
0x7c: {  	[hbm4b:s24+s2] =	stream.linear.scatter [tilespmem:s23], [sflag:$0x9], $0x80, $0x38;
	[tilespmem:$0x1E900] =	vst v63  }
0x7d: {  	s10 =	simm.s32 $0x2200;
	s12 =	simm.s32 $0x164B8;
	s13 =	sadd.s32 $0x70, s6  }
0x7e: {  	[hbm4b:s26+s2] =	stream.linear.scatter [tilespmem:s25], [sflag:$0x9], $0x80, $0x38;
	[tilespmem:$0x1E900] =	vst v63  }
.LBB2_4:
0x7f: {  	[hbm4b:s13+s2] =	stream.linear.scatter [tilespmem:s12], [sflag:$0x9], $0x80, $0x38;
	[tilespmem:$0x1E900] =	vst v63  }
0x80: {  	s12 =	smov.u32 s0;
	s0 =	smov.u32 s10  }
0x81: {  	s14 =	sadd.s32 $0x1100, s10;
	s0 =	sshra.s32 s0, $0x2;
	s13 =	sadd.s32 $0x16100, s12  }
0x82: {  	[hbm4b:s1+s2] =	stream.linear.scatter [tilespmem:s13], [sflag:$0x9], $0x80, $0x38;
	[tilespmem:$0x1E900] =	vst v63  }
0x83: {  	p0 =	sne.s32 s10, $0xFF00;
	s10 =	sadd.s32 $0x16188, s12;
	s13 =	sadd.s32 $0x10, s1  }
0x84: {  	[hbm4b:s13+s2] =	stream.linear.scatter [tilespmem:s10], [sflag:$0x9], $0x80, $0x38;
	[tilespmem:$0x1E900] =	vst v63  }
0x85: {  	s10 =	sadd.s32 $0x16210, s12;
	s13 =	sadd.s32 $0x20, s1  }
0x86: {  	[hbm4b:s13+s2] =	stream.linear.scatter [tilespmem:s10], [sflag:$0x9], $0x80, $0x38;
	[tilespmem:$0x1E900] =	vst v63  }
0x87: {  	s10 =	sadd.s32 $0x16298, s12;
	s13 =	sadd.s32 $0x30, s1  }
0x88: {  	[hbm4b:s13+s2] =	stream.linear.scatter [tilespmem:s10], [sflag:$0x9], $0x80, $0x38;
	[tilespmem:$0x1E900] =	vst v63  }
0x89: {  	s10 =	sadd.s32 $0x16320, s12;
	s13 =	sadd.s32 $0x40, s1  }
0x8a: {  	[hbm4b:s13+s2] =	stream.linear.scatter [tilespmem:s10], [sflag:$0x9], $0x80, $0x38;
	[tilespmem:$0x1E900] =	vst v63  }
.Ltmp1:
0x8b: {  	s10 =	sadd.s32 $0x163A8, s12;
	s13 =	sadd.s32 $0x50, s1;
	(pc) =	sbr.rel @p0 .LBB2_4-.Ltmp1, $4  }
0x8c: {  	[hbm4b:s13+s2] =	stream.linear.scatter [tilespmem:s10], [sflag:$0x9], $0x80, $0x38;
	[tilespmem:$0x1E900] =	vst v63  }
0x8d: {  	s10 =	sadd.s32 $0x16430, s12;
	s13 =	sadd.s32 $0x60, s1;
	s12 =	sadd.s32 $0x164B8, s12  }
0x8e: {  	[hbm4b:s13+s2] =	stream.linear.scatter [tilespmem:s10], [sflag:$0x9], $0x80, $0x38;
	[tilespmem:$0x1E900] =	vst v63  }
0x8f: {  	s13 =	sadd.s32 $0x70, s1;
	s1 =	sadd.s32 $0x1000, s1;
	s10 =	smov.u32 s14  }
0x90: {  	[hbm4b:s13+s2] =	stream.linear.scatter [tilespmem:s12], [sflag:$0x9], $0x80, $0x38;
	[tilespmem:$0x1E900] =	vst v63  }
0x91: {  	s10 =	sadd.s32 $0x16100, s0  }
0x92: {  	[hbm4b:s1+s2] =	stream.linear.scatter [tilespmem:s10], [sflag:$0x9], $0x80, $0x38;
	[tilespmem:$0x1E900] =	vst v63  }
0x93: {  	s15 =	sadd.s32 $0x16188, s0;
	s16 =	sadd.s32 $0x10, s1  }
0x94: {  	[hbm4b:s16+s2] =	stream.linear.scatter [tilespmem:s15], [sflag:$0x9], $0x80, $0x38;
	[tilespmem:$0x1E900] =	vst v63  }
0x95: {  	s17 =	sadd.s32 $0x16210, s0;
	s18 =	sadd.s32 $0x20, s1  }
0x96: {  	[hbm4b:s18+s2] =	stream.linear.scatter [tilespmem:s17], [sflag:$0x9], $0x80, $0x38;
	[tilespmem:$0x1E900] =	vst v63  }
0x97: {  	s19 =	sadd.s32 $0x16298, s0;
	s20 =	sadd.s32 $0x30, s1  }
0x98: {  	[hbm4b:s20+s2] =	stream.linear.scatter [tilespmem:s19], [sflag:$0x9], $0x80, $0x38;
	[tilespmem:$0x1E900] =	vst v63  }
0x99: {  	s21 =	sadd.s32 $0x16320, s0;
	s22 =	sadd.s32 $0x40, s1  }
0x9a: {  	[hbm4b:s22+s2] =	stream.linear.scatter [tilespmem:s21], [sflag:$0x9], $0x80, $0x38;
	[tilespmem:$0x1E900] =	vst v63  }
0x9b: {  	s23 =	sadd.s32 $0x163A8, s0;
	s24 =	sadd.s32 $0x50, s1  }
0x9c: {  	[hbm4b:s24+s2] =	stream.linear.scatter [tilespmem:s23], [sflag:$0x9], $0x80, $0x38;
	[tilespmem:$0x1E900] =	vst v63  }
0x9d: {  	s25 =	sadd.s32 $0x16430, s0;
	s26 =	sadd.s32 $0x60, s1  }
0x9e: {  	[hbm4b:s26+s2] =	stream.linear.scatter [tilespmem:s25], [sflag:$0x9], $0x80, $0x38;
	[tilespmem:$0x1E900] =	vst v63  }
0x9f: {  	s12 =	sadd.s32 $0x164B8, s0;
	s13 =	sadd.s32 $0x70, s1  }
0xa0: {  	[hbm4b:s13+s2] =	stream.linear.scatter [tilespmem:s12], [sflag:$0x9], $0x80, $0x38;
	[tilespmem:$0x1E900] =	vst v63  }
0xa1: {  	s14 =	simm.s32 $0x1A500;
	s1 =	simm.s32 $0x0  }
0xa2: {  	[hbm4b:s7+s1] =	stream.linear.scatter [tilespmem:s14], [sflag:$0xA], $0x80, $0x38;
	[tilespmem:$0x1E900] =	vst v63  }
0xa3: {  	s15 =	simm.s32 $0x1A588;
	s16 =	sadd.s32 $0x10, s7  }
0xa4: {  	[hbm4b:s16+s1] =	stream.linear.scatter [tilespmem:s15], [sflag:$0xA], $0x80, $0x38;
	[tilespmem:$0x1E900] =	vst v63  }
0xa5: {  	s0 =	simm.s32 $0x440;
	s17 =	simm.s32 $0x1A610;
	s18 =	sadd.s32 $0x20, s7  }
0xa6: {  	[hbm4b:s18+s1] =	stream.linear.scatter [tilespmem:s17], [sflag:$0xA], $0x80, $0x38;
	[tilespmem:$0x1E900] =	vst v63  }
0xa7: {  	s10 =	sadd.s32 $0x1000, s7;
	s19 =	simm.s32 $0x1A698;
	s20 =	sadd.s32 $0x30, s7  }
0xa8: {  	[hbm4b:s20+s1] =	stream.linear.scatter [tilespmem:s19], [sflag:$0xA], $0x80, $0x38;
	[tilespmem:$0x1E900] =	vst v63  }
0xa9: {  	s21 =	simm.s32 $0x1A720;
	s22 =	sadd.s32 $0x40, s7;
	s23 =	simm.s32 $0x1A7A8  }
0xaa: {  	[hbm4b:s22+s1] =	stream.linear.scatter [tilespmem:s21], [sflag:$0xA], $0x80, $0x38;
	[tilespmem:$0x1E900] =	vst v63  }
0xab: {  	s24 =	sadd.s32 $0x50, s7;
	s25 =	simm.s32 $0x1A830;
	s26 =	sadd.s32 $0x60, s7  }
0xac: {  	[hbm4b:s24+s1] =	stream.linear.scatter [tilespmem:s23], [sflag:$0xA], $0x80, $0x38;
	[tilespmem:$0x1E900] =	vst v63  }
0xad: {  	s12 =	simm.s32 $0x2200;
	s13 =	simm.s32 $0x1A8B8;
	s14 =	sadd.s32 $0x70, s7  }
0xae: {  	[hbm4b:s26+s1] =	stream.linear.scatter [tilespmem:s25], [sflag:$0xA], $0x80, $0x38;
	[tilespmem:$0x1E900] =	vst v63  }
.LBB2_6:
0xaf: {  	[hbm4b:s14+s1] =	stream.linear.scatter [tilespmem:s13], [sflag:$0xA], $0x80, $0x38;
	[tilespmem:$0x1E900] =	vst v63  }
0xb0: {  	s13 =	smov.u32 s0;
	s0 =	smov.u32 s12  }
0xb1: {  	s15 =	sadd.s32 $0x1100, s12;
	s0 =	sshra.s32 s0, $0x2;
	s14 =	sadd.s32 $0x1A500, s13  }
0xb2: {  	[hbm4b:s10+s1] =	stream.linear.scatter [tilespmem:s14], [sflag:$0xA], $0x80, $0x38;
	[tilespmem:$0x1E900] =	vst v63  }
0xb3: {  	p0 =	sne.s32 s12, $0xFF00;
	s12 =	sadd.s32 $0x1A588, s13;
	s14 =	sadd.s32 $0x10, s10  }
0xb4: {  	[hbm4b:s14+s1] =	stream.linear.scatter [tilespmem:s12], [sflag:$0xA], $0x80, $0x38;
	[tilespmem:$0x1E900] =	vst v63  }
0xb5: {  	s12 =	sadd.s32 $0x1A610, s13;
	s14 =	sadd.s32 $0x20, s10  }
0xb6: {  	[hbm4b:s14+s1] =	stream.linear.scatter [tilespmem:s12], [sflag:$0xA], $0x80, $0x38;
	[tilespmem:$0x1E900] =	vst v63  }
0xb7: {  	s12 =	sadd.s32 $0x1A698, s13;
	s14 =	sadd.s32 $0x30, s10  }
0xb8: {  	[hbm4b:s14+s1] =	stream.linear.scatter [tilespmem:s12], [sflag:$0xA], $0x80, $0x38;
	[tilespmem:$0x1E900] =	vst v63  }
0xb9: {  	s12 =	sadd.s32 $0x1A720, s13;
	s14 =	sadd.s32 $0x40, s10  }
0xba: {  	[hbm4b:s14+s1] =	stream.linear.scatter [tilespmem:s12], [sflag:$0xA], $0x80, $0x38;
	[tilespmem:$0x1E900] =	vst v63  }
.Ltmp2:
0xbb: {  	s12 =	sadd.s32 $0x1A7A8, s13;
	s14 =	sadd.s32 $0x50, s10;
	(pc) =	sbr.rel @p0 .LBB2_6-.Ltmp2, $4  }
0xbc: {  	[hbm4b:s14+s1] =	stream.linear.scatter [tilespmem:s12], [sflag:$0xA], $0x80, $0x38;
	[tilespmem:$0x1E900] =	vst v63  }
0xbd: {  	s12 =	sadd.s32 $0x1A830, s13;
	s14 =	sadd.s32 $0x60, s10;
	s13 =	sadd.s32 $0x1A8B8, s13  }
0xbe: {  	[hbm4b:s14+s1] =	stream.linear.scatter [tilespmem:s12], [sflag:$0xA], $0x80, $0x38;
	[tilespmem:$0x1E900] =	vst v63  }
0xbf: {  	s14 =	sadd.s32 $0x70, s10;
	s10 =	sadd.s32 $0x1000, s10;
	s12 =	smov.u32 s15  }
0xc0: {  	[hbm4b:s14+s1] =	stream.linear.scatter [tilespmem:s13], [sflag:$0xA], $0x80, $0x38;
	[tilespmem:$0x1E900] =	vst v63  }
0xc1: {  	s12 =	sadd.s32 $0x1A500, s0  }
0xc2: {  	[hbm4b:s10+s1] =	stream.linear.scatter [tilespmem:s12], [sflag:$0xA], $0x80, $0x38;
	[tilespmem:$0x1E900] =	vst v63  }
0xc3: {  	s13 =	sadd.s32 $0x1A588, s0;
	s14 =	sadd.s32 $0x10, s10  }
0xc4: {  	[hbm4b:s14+s1] =	stream.linear.scatter [tilespmem:s13], [sflag:$0xA], $0x80, $0x38;
	[tilespmem:$0x1E900] =	vst v63  }
0xc5: {  	s15 =	sadd.s32 $0x1A610, s0;
	s16 =	sadd.s32 $0x20, s10  }
0xc6: {  	[hbm4b:s16+s1] =	stream.linear.scatter [tilespmem:s15], [sflag:$0xA], $0x80, $0x38;
	[tilespmem:$0x1E900] =	vst v63  }
0xc7: {  	s17 =	sadd.s32 $0x1A698, s0;
	s18 =	sadd.s32 $0x30, s10  }
0xc8: {  	[hbm4b:s18+s1] =	stream.linear.scatter [tilespmem:s17], [sflag:$0xA], $0x80, $0x38;
	[tilespmem:$0x1E900] =	vst v63  }
0xc9: {  	s19 =	sadd.s32 $0x1A720, s0;
	s20 =	sadd.s32 $0x40, s10  }
0xca: {  	[hbm4b:s20+s1] =	stream.linear.scatter [tilespmem:s19], [sflag:$0xA], $0x80, $0x38;
	[tilespmem:$0x1E900] =	vst v63  }
0xcb: {  	s21 =	sadd.s32 $0x1A7A8, s0;
	s22 =	sadd.s32 $0x50, s10  }
0xcc: {  	[hbm4b:s22+s1] =	stream.linear.scatter [tilespmem:s21], [sflag:$0xA], $0x80, $0x38;
	[tilespmem:$0x1E900] =	vst v63  }
0xcd: {  	s23 =	sadd.s32 $0x1A830, s0;
	s24 =	sadd.s32 $0x60, s10  }
0xce: {  	[hbm4b:s24+s1] =	stream.linear.scatter [tilespmem:s23], [sflag:$0xA], $0x80, $0x38;
	[tilespmem:$0x1E900] =	vst v63  }
0xcf: {  	s25 =	sadd.s32 $0x1A8B8, s0;
	s26 =	sadd.s32 $0x70, s10;
	p0 =	por $0x0, $0x0  }
0xd0: {  	[hbm4b:s26+s1] =	stream.linear.scatter [tilespmem:s25], [sflag:$0xA], $0x80, $0x38;
	[tilespmem:$0x1E900] =	vst v63  }
.LBB2_8:
0xd1: {  	s0 =	simm.s32 $0x1;
	s20 =	sand.u32 $0x1, s1;
	s16 =	simm.s32 $0x0  }
0xd2: {  	s26 =	simm.s32 $0x1;
	s21 =	simm.s32 $0x2;
	s24 =	simm.s32 $0x4  }
0xd3: {  	s22 =	simm.s32 $0x5;
	s23 =	sshll.u32 s1, $0x7;
	s0 =	simm.s32 @!p0 $0x0  }
0xd4: {  	s10 =	smul.u32 $0x11000, s0;
	s13 =	sshll.u32 s0, $0xE;
	s0 =	sadd.s32 $0x9, s20  }
0xd5: {  	s25 =	simm.s32 $0x6;
	s14 =	smul.u32 $0x11000, s20;
	_ =	swait.ge [sflag:s0], $0x4000  }
0xd6: {  	s15 =	sshll.u32 s20, $0x2;
	v27 =	vmov s21;
	s21 =	simm.s32 $0x3;
	[sflag:s0] =	ssyncset.done $0x0  }
0xd7: {  	v26 =	vmov s26;
	s26 =	simm.s32 $0x7;
	s18 =	sor.u32 $0x1, s15;
	[sflag:s0] =	ssyncadd.s32 $0xFFFFC000  }
0xd8: {  	v25 =	vmov s16;
	v34 =	vmov s22;
	s22 =	simm.s32 $0x8;
	s12 =	sor.u32 $0x111F0, s13;
	_ =	swait.ge [sflag:s18], $0x1000  }
0xd9: {  	v31 =	vmov s24;
	v35 =	vmov s25;
	v25 =	vshrl.u32 v25, $0x3;
	s17 =	sor.u32 $0x101F0, s13;
	s19 =	sadd.s32 $0xF1F0, s13;
	[sflag:s18] =	ssyncset.done $0x0  }
0xda: {  	v28 =	vmov s21;
	v30 =	vshrl.u32 v26, $0x3;
	v32 =	vshrl.u32 v27, $0x3;
	s16 =	sadd.s32 $0xE180, s13;
	s13 =	sand.u32 $0x3FFFFF80, s23;
	[sflag:s18] =	ssyncadd.s32 $0xFFFFF000  }
0xdb: {  	s20 =	sshll.u32 s20, $0xE;
	v27 =	vshrl.u32 v35, $0x3;
	v29 =	vshll.u32 v25, v9;
	s14 =	sshrl.u32 s14, $0x2;
	v33 =	vshrl.u32 v28, $0x3;
	s10 =	sshrl.u32 s10, $0x2;
	v25 =	vld [tilespmem:s13+$0xC800]  }
0xdc: {  	v28 =	vshrl.u32 v31, $0x3;
	s20 =	sadd.s32 $0xE100, s20;
	v31 =	vshrl.u32 v34, $0x3;
	v34 =	vmov s26;
	s21 =	sadd.s32 $0x16100, s14;
	s10 =	sadd.s32 $0x16100, s10;
	v26 =	vld [tilespmem:s13+$0xC810]  }
.LBB2_9:
0xdd: {  	p1 =	slt.u32 s22, $0x78;
	v29 =	vbroadcast v29, $0x0;
	v30 =	vshll.u32 v30, v9;
	v35 =	vld [tilespmem:s16+$0x60];
	v34 =	vshrl.u32 v34, $0x3  }
0xde: {  	v32 =	vshll.u32 v32, v9;
	v33 =	vshll.u32 v33, v9;
	v36 =	vld [tilespmem:s16+$0x70];
	v34 =	vshll.u32 v34, v9  }
0xdf: {  	v28 =	vshll.u32 v28, v9;
	v31 =	vshll.u32 v31, v9;
	v37 =	vld [tilespmem:s16+$0xFFFFFF80];
	v34 =	vbroadcast v34, $0x0  }
0xe0: {  	v27 =	vshll.u32 v27, v9;
	v30 =	vbroadcast v30, $0x0;
	v32 =	vbroadcast v32, $0x0;
	v38 =	vld [tilespmem:s16+$0xFFFFFF90]  }
0xe1: {  	v33 =	vbroadcast v33, $0x0;
	v28 =	vbroadcast v28, $0x0;
	v39 =	vld [tilespmem:s16+$0xFFFFFFA0];
	v40 =	vadd.s32 v23, v34  }
0xe2: {  	v31 =	vbroadcast v31, $0x0;
	v34 =	vadd.s32 v24, v34;
	v41 =	vld [tilespmem:s16+$0xFFFFFFB0];
	v35 =	vmul.f32 $5.656854150e+00, v35  }
0xe3: {  	v27 =	vbroadcast v27, $0x0;
	v42 =	vadd.s32 v6, v29;
	v43 =	vld [tilespmem:s16+$0xFFFFFFC0];
	v36 =	vmul.f32 $5.656854150e+00, v36  }
0xe4: {  	v29 =	vadd.s32 v10, v29;
	v37 =	vmul.f32 $5.656854150e+00, v37;
	v44 =	vld [tilespmem:s16+$0xFFFFFFD0];
	v35 =	vadd.f32 v35, v25  }
0xe5: {  	v45 =	vadd.s32 v11, v30;
	v38 =	vmul.f32 $5.656854150e+00, v38;
	v46 =	vld [tilespmem:s16+$0xFFFFFFE0];
	v36 =	vadd.f32 v36, v26  }
0xe6: {  	v30 =	vadd.s32 v12, v30;
	v37 =	vadd.f32 v37, v25;
	v39 =	vmul.f32 $5.656854150e+00, v39;
	v47 =	vld [tilespmem:s16+$0xFFFFFFF0];
	[tilespmem:v40+s21+$0x0] =	vst.idx.msk $0xffff, v35  }
0xe7: {  	v40 =	vadd.s32 v13, v32;
	v35 =	vadd.f32 v38, v26;
	v38 =	vmul.f32 $5.656854150e+00, v41;
	v41 =	vld [tilespmem:s16+$0x0];
	[tilespmem:v34+s21+$0x0] =	vst.idx.msk $0xffff, v36  }
0xe8: {  	v32 =	vadd.s32 v14, v32;
	[tilespmem:v42+s21+$0x0] =	vst.idx.msk $0xffff, v37;
	v34 =	vadd.f32 v39, v25;
	v36 =	vmul.f32 $5.656854150e+00, v43;
	v37 =	vld [tilespmem:s16+$0x10]  }
0xe9: {  	[tilespmem:v29+s21+$0x0] =	vst.idx.msk $0xffff, v35;
	v29 =	vadd.f32 v38, v26;
	v35 =	vmul.f32 $5.656854150e+00, v44;
	v38 =	vadd.s32 v15, v33;
	v39 =	vld [tilespmem:s16+$0x20]  }
0xea: {  	v33 =	vadd.s32 v16, v33;
	[tilespmem:v45+s21+$0x0] =	vst.idx.msk $0xffff, v34;
	v34 =	vadd.f32 v36, v25;
	v36 =	vmul.f32 $5.656854150e+00, v46;
	v42 =	vld [tilespmem:s16+$0x30]  }
0xeb: {  	[tilespmem:v30+s21+$0x0] =	vst.idx.msk $0xffff, v29;
	v29 =	vadd.f32 v35, v26;
	v30 =	vmul.f32 $5.656854150e+00, v47;
	v35 =	vadd.s32 v17, v28;
	v43 =	vld [tilespmem:s16+$0x40]  }
0xec: {  	v28 =	vadd.s32 v18, v28;
	[tilespmem:v40+s21+$0x0] =	vst.idx.msk $0xffff, v34;
	v34 =	vadd.f32 v36, v25;
	v36 =	vmul.f32 $5.656854150e+00, v41;
	v40 =	vld [tilespmem:s16+$0x50]  }
0xed: {  	[tilespmem:v32+s21+$0x0] =	vst.idx.msk $0xffff, v29;
	v29 =	vadd.f32 v30, v26;
	v30 =	vmul.f32 $5.656854150e+00, v37;
	v32 =	vadd.s32 v19, v31  }
0xee: {  	v31 =	vadd.s32 v20, v31;
	[tilespmem:v38+s21+$0x0] =	vst.idx.msk $0xffff, v34;
	v34 =	vadd.f32 v36, v25;
	v36 =	vmul.f32 $5.656854150e+00, v39  }
0xef: {  	[tilespmem:v33+s21+$0x0] =	vst.idx.msk $0xffff, v29;
	v29 =	vadd.f32 v30, v26;
	v30 =	vmul.f32 $5.656854150e+00, v42;
	v33 =	vadd.s32 v21, v27  }
0xf0: {  	v27 =	vadd.s32 v22, v27;
	[tilespmem:v35+s21+$0x0] =	vst.idx.msk $0xffff, v34;
	v34 =	vadd.f32 v36, v25;
	v35 =	vmul.f32 $5.656854150e+00, v43  }
0xf1: {  	v36 =	vmov s22;
	[tilespmem:v28+s21+$0x0] =	vst.idx.msk $0xffff, v29;
	v28 =	vadd.f32 v30, v26;
	v29 =	vmul.f32 $5.656854150e+00, v40  }
0xf2: {  	s23 =	sadd.s32 $0x1, s22;
	s24 =	sadd.s32 $0x2, s22;
	s25 =	sadd.s32 $0x5, s22;
	v30 =	vshrl.u32 v36, $0x3;
	[tilespmem:v32+s21+$0x0] =	vst.idx.msk $0xffff, v34;
	v32 =	vadd.f32 v35, v25  }
.Ltmp3:
0xf3: {  	v34 =	vmov s23;
	v35 =	vmov s24;
	s23 =	sadd.s32 $0x3, s22;
	s24 =	sadd.s32 $0x4, s22;
	[tilespmem:v31+s21+$0x0] =	vst.idx.msk $0xffff, v28;
	v28 =	vadd.f32 v29, v26;
	(pc) =	sbr.rel @p1 .LBB2_9-.Ltmp3, $4  }
0xf4: {  	v37 =	vmov s25;
	v31 =	vmov s23;
	v36 =	vmov s24;
	s23 =	sadd.s32 $0x6, s22;
	[tilespmem:v33+s21+$0x0] =	vst.idx.msk $0xffff, v32  }
0xf5: {  	v29 =	vshll.u32 v30, v9;
	v30 =	vshrl.u32 v34, $0x3;
	v34 =	vmov s23;
	[tilespmem:v27+s21+$0x0] =	vst.idx.msk $0xffff, v28  }
0xf6: {  	v32 =	vshrl.u32 v35, $0x3;
	v33 =	vshrl.u32 v31, $0x3;
	s23 =	sadd.s32 $0x7, s22;
	v28 =	vshrl.u32 v36, $0x3  }
0xf7: {  	s16 =	sadd.s32 $0x100, s16;
	v31 =	vshrl.u32 v37, $0x3;
	s22 =	sadd.s32 $0x8, s22;
	v27 =	vshrl.u32 v34, $0x3;
	v34 =	vmov s23  }
0xf8: {  	v29 =	vbroadcast v29, $0x0;
	v30 =	vshll.u32 v30, v9;
	v35 =	vld [tilespmem:s16+$0x60];
	v34 =	vshrl.u32 v34, $0x3  }
0xf9: {  	v32 =	vshll.u32 v32, v9;
	v33 =	vshll.u32 v33, v9;
	v37 =	vld [tilespmem:s16+$0xFFFFFF80];
	v34 =	vshll.u32 v34, v9  }
0xfa: {  	v28 =	vshll.u32 v28, v9;
	v31 =	vshll.u32 v31, v9;
	v39 =	vld [tilespmem:s16+$0xFFFFFFA0];
	v34 =	vbroadcast v34, $0x0  }
0xfb: {  	v38 =	vld [tilespmem:s16+$0xFFFFFF90];
	v27 =	vshll.u32 v27, v9;
	v30 =	vbroadcast v30, $0x0;
	v32 =	vbroadcast v32, $0x0  }
0xfc: {  	v43 =	vld [tilespmem:s16+$0xFFFFFFC0];
	v33 =	vbroadcast v33, $0x0;
	v28 =	vbroadcast v28, $0x0;
	v40 =	vadd.s32 v23, v34  }
0xfd: {  	v41 =	vld [tilespmem:s16+$0xFFFFFFB0];
	v31 =	vbroadcast v31, $0x0;
	v42 =	vadd.s32 v6, v29;
	v35 =	vmul.f32 $5.656854150e+00, v35  }
0xfe: {  	v46 =	vld [tilespmem:s16+$0xFFFFFFE0];
	v27 =	vbroadcast v27, $0x0;
	v45 =	vadd.s32 v11, v30;
	v37 =	vmul.f32 $5.656854150e+00, v37  }
0xff: {  	v44 =	vld [tilespmem:s16+$0xFFFFFFD0];
	v29 =	vadd.s32 v10, v29;
	v39 =	vmul.f32 $5.656854150e+00, v39;
	v35 =	vadd.f32 v35, v25  }
0x100: {  	v36 =	vld [tilespmem:s16+$0x70];
	v56 =	vadd.s32 v13, v32;
	v38 =	vmul.f32 $5.656854150e+00, v38;
	v37 =	vadd.f32 v37, v25  }
0x101: {  	v47 =	vld [tilespmem:s16+$0xFFFFFFF0];
	v30 =	vadd.s32 v12, v30;
	v59 =	vmul.f32 $5.656854150e+00, v43;
	v58 =	vadd.f32 v39, v25;
	[tilespmem:v40+s21+$0x0] =	vst.idx.msk $0xffff, v35  }
0x102: {  	v57 =	vld [tilespmem:s16+$0x0];
	v62 =	vadd.s32 v15, v33;
	v55 =	vmul.f32 $5.656854150e+00, v41;
	v54 =	vadd.f32 v38, v26;
	[tilespmem:v42+s21+$0x0] =	vst.idx.msk $0xffff, v37  }
0x103: {  	v60 =	vld [tilespmem:s16+$0x10];
	v32 =	vadd.s32 v14, v32;
	v49 =	vmul.f32 $5.656854150e+00, v46;
	v48 =	vadd.f32 v59, v25;
	[tilespmem:v45+s21+$0x0] =	vst.idx.msk $0xffff, v58  }
0x104: {  	v63 =	vld [tilespmem:s16+$0x20];
	v34 =	vadd.s32 v24, v34;
	v61 =	vmul.f32 $5.656854150e+00, v44;
	[tilespmem:v29+s21+$0x0] =	vst.idx.msk $0xffff, v54;
	v29 =	vadd.f32 v55, v26  }
0x105: {  	v52 =	vld [tilespmem:s16+$0x40];
	v33 =	vadd.s32 v16, v33;
	v36 =	vmul.f32 $5.656854150e+00, v36;
	v53 =	vadd.f32 v49, v25;
	[tilespmem:v56+s21+$0x0] =	vst.idx.msk $0xffff, v48  }
0x106: {  	v50 =	vld [tilespmem:s16+$0x30];
	v51 =	vadd.s32 v17, v28;
	[tilespmem:v30+s21+$0x0] =	vst.idx.msk $0xffff, v29;
	v29 =	vadd.f32 v61, v26;
	v30 =	vmul.f32 $5.656854150e+00, v47  }
0x107: {  	v28 =	vadd.s32 v18, v28;
	v36 =	vadd.f32 v36, v26;
	[tilespmem:v62+s21+$0x0] =	vst.idx.msk $0xffff, v53;
	v54 =	vmul.f32 $5.656854150e+00, v57;
	v55 =	vld [tilespmem:s16+$0x50]  }
0x108: {  	v56 =	vadd.s32 v19, v31;
	[tilespmem:v32+s21+$0x0] =	vst.idx.msk $0xffff, v29;
	v29 =	vadd.f32 v30, v26;
	v30 =	vmul.f32 $5.656854150e+00, v60  }
0x109: {  	v59 =	vadd.s32 v21, v27;
	v58 =	vmul.f32 $5.656854150e+00, v63;
	[tilespmem:v34+s21+$0x0] =	vst.idx.msk $0xffff, v36;
	v57 =	vadd.f32 v54, v25  }
0x10a: {  	v31 =	vadd.s32 v20, v31;
	v61 =	vmul.f32 $5.656854150e+00, v52;
	[tilespmem:v33+s21+$0x0] =	vst.idx.msk $0xffff, v29;
	v29 =	vadd.f32 v30, v26  }
0x10b: {  	v27 =	vadd.s32 v22, v27;
	[tilespmem:v51+s21+$0x0] =	vst.idx.msk $0xffff, v57;
	v60 =	vadd.f32 v58, v25;
	v30 =	vmul.f32 $5.656854150e+00, v50  }
0x10c: {  	v25 =	vadd.f32 v61, v25;
	[tilespmem:v28+s21+$0x0] =	vst.idx.msk $0xffff, v29;
	v29 =	vmul.f32 $5.656854150e+00, v55  }
0x10d: {  	p1 =	sgt.u32 s1, $0x2F;
	[tilespmem:v56+s21+$0x0] =	vst.idx.msk $0xffff, v60;
	v28 =	vadd.f32 v30, v26  }
0x10e: {  	s16 =	sshll.u32 @!p1 s1, $0x9;
	[tilespmem:v59+s21+$0x0] =	vst.idx.msk $0xffff, v25;
	v26 =	vadd.f32 v29, v26  }
0x10f: {  	s16 =	sand.u32 @!p1 $0x3FFFFE00, s16;
	[tilespmem:v31+s21+$0x0] =	vst.idx.msk $0xffff, v28  }
0x110: {  	s26 =	simm.s32 $0x0;
	s22 =	simm.s32 @!p1 $0x80;
	[tilespmem:v27+s21+$0x0] =	vst.idx.msk $0xffff, v26;
	s21 =	sadd.s32 @!p1 $0x6800, s16  }
0x111: {  	[tilespmem:s20], [sflag:s18] =	stream.indirect.gather @!p1 [hbm4b:s3+s22], $0x20, s21, s22, $0xb8;
	[tilespmem:$0x1E900] =	vst v63  }
0x112: {  	s25 =	simm.s32 $0x5;
	v25 =	vmov s26;
	s26 =	simm.s32 $0x6;
	s20 =	sadd.s32 $0x2, s15  }
0x113: {  	s23 =	simm.s32 $0x3;
	s24 =	simm.s32 $0x4;
	v62 =	vmov s25;
	v25 =	vshrl.u32 v25, $0x3;
	v63 =	vmov s26;
	_ =	swait.ge [sflag:s20], $0x1000  }
0x114: {  	v28 =	vmov s23;
	v31 =	vmov s24;
	v29 =	vshll.u32 v25, v9;
	s23 =	simm.s32 $0x7;
	[sflag:s20] =	ssyncset.done $0x0  }
0x115: {  	v33 =	vshrl.u32 v28, $0x3;
	v28 =	vshrl.u32 v31, $0x3;
	v31 =	vshrl.u32 v62, $0x3;
	s21 =	simm.s32 $0x1;
	s22 =	simm.s32 $0x2;
	[sflag:s20] =	ssyncadd.s32 $0xFFFFF000  }
0x116: {  	v34 =	vmov s23;
	s18 =	sshll.u32 s15, $0xC;
	v26 =	vmov s21;
	v27 =	vmov s22;
	v25 =	vld [tilespmem:s13+$0xC820]  }
0x117: {  	s23 =	simm.s32 $0x8;
	s21 =	sadd.s32 $0xF100, s18;
	s22 =	sadd.s32 $0x17200, s14;
	v30 =	vshrl.u32 v26, $0x3;
	v32 =	vshrl.u32 v27, $0x3;
	v27 =	vshrl.u32 v63, $0x3;
	v26 =	vld [tilespmem:s13+$0xC830]  }
.LBB2_11:
0x118: {  	p2 =	slt.u32 s23, $0x78;
	v29 =	vbroadcast v29, $0x0;
	v30 =	vshll.u32 v30, v9;
	v35 =	vld [tilespmem:s19+$0xFFFFFFF0];
	v34 =	vshrl.u32 v34, $0x3  }
0x119: {  	v32 =	vshll.u32 v32, v9;
	v33 =	vshll.u32 v33, v9;
	v36 =	vld [tilespmem:s19+$0x0];
	v34 =	vshll.u32 v34, v9  }
0x11a: {  	v28 =	vshll.u32 v28, v9;
	v31 =	vshll.u32 v31, v9;
	v37 =	vld [tilespmem:s19+$0xFFFFFF10];
	v34 =	vbroadcast v34, $0x0  }
0x11b: {  	v27 =	vshll.u32 v27, v9;
	v30 =	vbroadcast v30, $0x0;
	v32 =	vbroadcast v32, $0x0;
	v38 =	vld [tilespmem:s19+$0xFFFFFF20]  }
0x11c: {  	v33 =	vbroadcast v33, $0x0;
	v28 =	vbroadcast v28, $0x0;
	v39 =	vld [tilespmem:s19+$0xFFFFFF30];
	v40 =	vadd.s32 v23, v34  }
0x11d: {  	v31 =	vbroadcast v31, $0x0;
	v34 =	vadd.s32 v24, v34;
	v41 =	vld [tilespmem:s19+$0xFFFFFF40];
	v35 =	vmul.f32 $5.656854150e+00, v35  }
0x11e: {  	v27 =	vbroadcast v27, $0x0;
	v42 =	vadd.s32 v6, v29;
	v43 =	vld [tilespmem:s19+$0xFFFFFF50];
	v36 =	vmul.f32 $5.656854150e+00, v36  }
0x11f: {  	v29 =	vadd.s32 v10, v29;
	v37 =	vmul.f32 $5.656854150e+00, v37;
	v44 =	vld [tilespmem:s19+$0xFFFFFF60];
	v35 =	vadd.f32 v35, v25  }
0x120: {  	v45 =	vadd.s32 v11, v30;
	v38 =	vmul.f32 $5.656854150e+00, v38;
	v46 =	vld [tilespmem:s19+$0xFFFFFF70];
	v36 =	vadd.f32 v36, v26  }
0x121: {  	v30 =	vadd.s32 v12, v30;
	v37 =	vadd.f32 v37, v25;
	v39 =	vmul.f32 $5.656854150e+00, v39;
	v47 =	vld [tilespmem:s19+$0xFFFFFF80];
	[tilespmem:v40+s22+$0x0] =	vst.idx.msk $0xffff, v35  }
0x122: {  	v40 =	vadd.s32 v13, v32;
	v35 =	vadd.f32 v38, v26;
	v38 =	vmul.f32 $5.656854150e+00, v41;
	v41 =	vld [tilespmem:s19+$0xFFFFFF90];
	[tilespmem:v34+s22+$0x0] =	vst.idx.msk $0xffff, v36  }
0x123: {  	v32 =	vadd.s32 v14, v32;
	[tilespmem:v42+s22+$0x0] =	vst.idx.msk $0xffff, v37;
	v34 =	vadd.f32 v39, v25;
	v36 =	vmul.f32 $5.656854150e+00, v43;
	v37 =	vld [tilespmem:s19+$0xFFFFFFA0]  }
0x124: {  	[tilespmem:v29+s22+$0x0] =	vst.idx.msk $0xffff, v35;
	v29 =	vadd.f32 v38, v26;
	v35 =	vmul.f32 $5.656854150e+00, v44;
	v38 =	vadd.s32 v15, v33;
	v39 =	vld [tilespmem:s19+$0xFFFFFFB0]  }
0x125: {  	v33 =	vadd.s32 v16, v33;
	[tilespmem:v45+s22+$0x0] =	vst.idx.msk $0xffff, v34;
	v34 =	vadd.f32 v36, v25;
	v36 =	vmul.f32 $5.656854150e+00, v46;
	v42 =	vld [tilespmem:s19+$0xFFFFFFC0]  }
0x126: {  	[tilespmem:v30+s22+$0x0] =	vst.idx.msk $0xffff, v29;
	v29 =	vadd.f32 v35, v26;
	v30 =	vmul.f32 $5.656854150e+00, v47;
	v35 =	vadd.s32 v17, v28;
	v43 =	vld [tilespmem:s19+$0xFFFFFFD0]  }
0x127: {  	v28 =	vadd.s32 v18, v28;
	[tilespmem:v40+s22+$0x0] =	vst.idx.msk $0xffff, v34;
	v34 =	vadd.f32 v36, v25;
	v36 =	vmul.f32 $5.656854150e+00, v41;
	v40 =	vld [tilespmem:s19+$0xFFFFFFE0]  }
0x128: {  	[tilespmem:v32+s22+$0x0] =	vst.idx.msk $0xffff, v29;
	v29 =	vadd.f32 v30, v26;
	v30 =	vmul.f32 $5.656854150e+00, v37;
	v32 =	vadd.s32 v19, v31  }
0x129: {  	v31 =	vadd.s32 v20, v31;
	[tilespmem:v38+s22+$0x0] =	vst.idx.msk $0xffff, v34;
	v34 =	vadd.f32 v36, v25;
	v36 =	vmul.f32 $5.656854150e+00, v39  }
0x12a: {  	[tilespmem:v33+s22+$0x0] =	vst.idx.msk $0xffff, v29;
	v29 =	vadd.f32 v30, v26;
	v30 =	vmul.f32 $5.656854150e+00, v42;
	v33 =	vadd.s32 v21, v27  }
0x12b: {  	v27 =	vadd.s32 v22, v27;
	[tilespmem:v35+s22+$0x0] =	vst.idx.msk $0xffff, v34;
	v34 =	vadd.f32 v36, v25;
	v35 =	vmul.f32 $5.656854150e+00, v43  }
0x12c: {  	v36 =	vmov s23;
	[tilespmem:v28+s22+$0x0] =	vst.idx.msk $0xffff, v29;
	v28 =	vadd.f32 v30, v26;
	v29 =	vmul.f32 $5.656854150e+00, v40  }
0x12d: {  	s24 =	sadd.s32 $0x1, s23;
	s25 =	sadd.s32 $0x2, s23;
	s26 =	sadd.s32 $0x5, s23;
	v30 =	vshrl.u32 v36, $0x3;
	[tilespmem:v32+s22+$0x0] =	vst.idx.msk $0xffff, v34;
	v32 =	vadd.f32 v35, v25  }
.Ltmp4:
0x12e: {  	v34 =	vmov s24;
	v35 =	vmov s25;
	s24 =	sadd.s32 $0x3, s23;
	s25 =	sadd.s32 $0x4, s23;
	[tilespmem:v31+s22+$0x0] =	vst.idx.msk $0xffff, v28;
	v28 =	vadd.f32 v29, v26;
	(pc) =	sbr.rel @p2 .LBB2_11-.Ltmp4, $4  }
0x12f: {  	v37 =	vmov s26;
	v31 =	vmov s24;
	v36 =	vmov s25;
	s24 =	sadd.s32 $0x6, s23;
	[tilespmem:v33+s22+$0x0] =	vst.idx.msk $0xffff, v32  }
0x130: {  	v29 =	vshll.u32 v30, v9;
	v30 =	vshrl.u32 v34, $0x3;
	v34 =	vmov s24;
	[tilespmem:v27+s22+$0x0] =	vst.idx.msk $0xffff, v28  }
0x131: {  	v32 =	vshrl.u32 v35, $0x3;
	v33 =	vshrl.u32 v31, $0x3;
	s24 =	sadd.s32 $0x7, s23;
	v28 =	vshrl.u32 v36, $0x3  }
0x132: {  	s19 =	sadd.s32 $0x100, s19;
	v31 =	vshrl.u32 v37, $0x3;
	s23 =	sadd.s32 $0x8, s23;
	v27 =	vshrl.u32 v34, $0x3;
	v34 =	vmov s24  }
0x133: {  	v29 =	vbroadcast v29, $0x0;
	v30 =	vshll.u32 v30, v9;
	v35 =	vld [tilespmem:s19+$0xFFFFFFF0];
	v34 =	vshrl.u32 v34, $0x3  }
0x134: {  	v32 =	vshll.u32 v32, v9;
	v33 =	vshll.u32 v33, v9;
	v37 =	vld [tilespmem:s19+$0xFFFFFF10];
	v34 =	vshll.u32 v34, v9  }
0x135: {  	v28 =	vshll.u32 v28, v9;
	v31 =	vshll.u32 v31, v9;
	v39 =	vld [tilespmem:s19+$0xFFFFFF30];
	v34 =	vbroadcast v34, $0x0  }
0x136: {  	v38 =	vld [tilespmem:s19+$0xFFFFFF20];
	v27 =	vshll.u32 v27, v9;
	v30 =	vbroadcast v30, $0x0;
	v32 =	vbroadcast v32, $0x0  }
0x137: {  	v43 =	vld [tilespmem:s19+$0xFFFFFF50];
	v33 =	vbroadcast v33, $0x0;
	v28 =	vbroadcast v28, $0x0;
	v40 =	vadd.s32 v23, v34  }
0x138: {  	v41 =	vld [tilespmem:s19+$0xFFFFFF40];
	v31 =	vbroadcast v31, $0x0;
	v42 =	vadd.s32 v6, v29;
	v35 =	vmul.f32 $5.656854150e+00, v35  }
0x139: {  	v46 =	vld [tilespmem:s19+$0xFFFFFF70];
	v27 =	vbroadcast v27, $0x0;
	v45 =	vadd.s32 v11, v30;
	v37 =	vmul.f32 $5.656854150e+00, v37  }
0x13a: {  	v44 =	vld [tilespmem:s19+$0xFFFFFF60];
	v29 =	vadd.s32 v10, v29;
	v39 =	vmul.f32 $5.656854150e+00, v39;
	v35 =	vadd.f32 v35, v25  }
0x13b: {  	v36 =	vld [tilespmem:s19+$0x0];
	v56 =	vadd.s32 v13, v32;
	v38 =	vmul.f32 $5.656854150e+00, v38;
	v37 =	vadd.f32 v37, v25  }
0x13c: {  	v47 =	vld [tilespmem:s19+$0xFFFFFF80];
	v30 =	vadd.s32 v12, v30;
	v59 =	vmul.f32 $5.656854150e+00, v43;
	v58 =	vadd.f32 v39, v25;
	[tilespmem:v40+s22+$0x0] =	vst.idx.msk $0xffff, v35  }
0x13d: {  	v57 =	vld [tilespmem:s19+$0xFFFFFF90];
	v62 =	vadd.s32 v15, v33;
	v55 =	vmul.f32 $5.656854150e+00, v41;
	v54 =	vadd.f32 v38, v26;
	[tilespmem:v42+s22+$0x0] =	vst.idx.msk $0xffff, v37  }
0x13e: {  	v60 =	vld [tilespmem:s19+$0xFFFFFFA0];
	v32 =	vadd.s32 v14, v32;
	v49 =	vmul.f32 $5.656854150e+00, v46;
	v48 =	vadd.f32 v59, v25;
	[tilespmem:v45+s22+$0x0] =	vst.idx.msk $0xffff, v58  }
0x13f: {  	v63 =	vld [tilespmem:s19+$0xFFFFFFB0];
	v34 =	vadd.s32 v24, v34;
	v61 =	vmul.f32 $5.656854150e+00, v44;
	[tilespmem:v29+s22+$0x0] =	vst.idx.msk $0xffff, v54;
	v29 =	vadd.f32 v55, v26  }
0x140: {  	v52 =	vld [tilespmem:s19+$0xFFFFFFD0];
	v33 =	vadd.s32 v16, v33;
	v36 =	vmul.f32 $5.656854150e+00, v36;
	v53 =	vadd.f32 v49, v25;
	[tilespmem:v56+s22+$0x0] =	vst.idx.msk $0xffff, v48  }
0x141: {  	v50 =	vld [tilespmem:s19+$0xFFFFFFC0];
	v51 =	vadd.s32 v17, v28;
	[tilespmem:v30+s22+$0x0] =	vst.idx.msk $0xffff, v29;
	v29 =	vadd.f32 v61, v26;
	v30 =	vmul.f32 $5.656854150e+00, v47  }
0x142: {  	v28 =	vadd.s32 v18, v28;
	v36 =	vadd.f32 v36, v26;
	[tilespmem:v62+s22+$0x0] =	vst.idx.msk $0xffff, v53;
	v54 =	vmul.f32 $5.656854150e+00, v57;
	v55 =	vld [tilespmem:s19+$0xFFFFFFE0]  }
0x143: {  	v56 =	vadd.s32 v19, v31;
	[tilespmem:v32+s22+$0x0] =	vst.idx.msk $0xffff, v29;
	v29 =	vadd.f32 v30, v26;
	v30 =	vmul.f32 $5.656854150e+00, v60  }
0x144: {  	v59 =	vadd.s32 v21, v27;
	v58 =	vmul.f32 $5.656854150e+00, v63;
	[tilespmem:v34+s22+$0x0] =	vst.idx.msk $0xffff, v36;
	v57 =	vadd.f32 v54, v25  }
0x145: {  	v31 =	vadd.s32 v20, v31;
	v61 =	vmul.f32 $5.656854150e+00, v52;
	[tilespmem:v33+s22+$0x0] =	vst.idx.msk $0xffff, v29;
	v29 =	vadd.f32 v30, v26  }
0x146: {  	v27 =	vadd.s32 v22, v27;
	[tilespmem:v51+s22+$0x0] =	vst.idx.msk $0xffff, v57;
	v60 =	vadd.f32 v58, v25;
	v30 =	vmul.f32 $5.656854150e+00, v50  }
0x147: {  	v25 =	vadd.f32 v61, v25;
	[tilespmem:v28+s22+$0x0] =	vst.idx.msk $0xffff, v29;
	v29 =	vmul.f32 $5.656854150e+00, v55  }
0x148: {  	[tilespmem:v56+s22+$0x0] =	vst.idx.msk $0xffff, v60;
	v28 =	vadd.f32 v30, v26  }
0x149: {  	[tilespmem:v59+s22+$0x0] =	vst.idx.msk $0xffff, v25;
	v26 =	vadd.f32 v29, v26  }
0x14a: {  	[tilespmem:v31+s22+$0x0] =	vst.idx.msk $0xffff, v28  }
0x14b: {  	s24 =	simm.s32 $0x0;
	s19 =	sadd.s32 @!p1 $0x6880, s16;
	[tilespmem:v27+s22+$0x0] =	vst.idx.msk $0xffff, v26;
	s22 =	simm.s32 @!p1 $0x80  }
0x14c: {  	v25 =	vmov s24;
	[tilespmem:s21], [sflag:s20] =	stream.indirect.gather @!p1 [hbm4b:s3+s22], $0x20, s19, s22, $0xb8;
	[tilespmem:$0x1E900] =	vst v63  }
0x14d: {  	s25 =	simm.s32 $0x1;
	s24 =	simm.s32 $0x5;
	v25 =	vshrl.u32 v25, $0x3;
	s19 =	sadd.s32 $0x3, s15  }
0x14e: {  	s26 =	simm.s32 $0x2;
	s23 =	simm.s32 $0x4;
	v62 =	vmov s24;
	v30 =	vshll.u32 v25, v9;
	_ =	swait.ge [sflag:s19], $0x1000  }
0x14f: {  	v29 =	vmov s23;
	v26 =	vmov s25;
	v27 =	vmov s26;
	s25 =	simm.s32 $0x6;
	[sflag:s19] =	ssyncset.done $0x0  }
0x150: {  	s26 =	simm.s32 $0x7;
	s22 =	simm.s32 $0x3;
	v31 =	vshrl.u32 v26, $0x3;
	v63 =	vmov s25;
	v32 =	vshrl.u32 v27, $0x3;
	[sflag:s19] =	ssyncadd.s32 $0xFFFFF000  }
0x151: {  	v34 =	vmov s26;
	v28 =	vmov s22;
	v27 =	vshrl.u32 v63, $0x3;
	v25 =	vld [tilespmem:s13+$0xC840]  }
0x152: {  	s20 =	sor.u32 $0x10100, s18;
	s21 =	sadd.s32 $0x18300, s14;
	s22 =	simm.s32 $0x8;
	v33 =	vshrl.u32 v28, $0x3;
	v28 =	vshrl.u32 v29, $0x3;
	v29 =	vshrl.u32 v62, $0x3;
	v26 =	vld [tilespmem:s13+$0xC850]  }
.LBB2_13:
0x153: {  	p2 =	slt.u32 s22, $0x78;
	v30 =	vbroadcast v30, $0x0;
	v31 =	vshll.u32 v31, v9;
	v35 =	vld [tilespmem:s17+$0xFFFFFFF0];
	v34 =	vshrl.u32 v34, $0x3  }
0x154: {  	v32 =	vshll.u32 v32, v9;
	v33 =	vshll.u32 v33, v9;
	v36 =	vld [tilespmem:s17+$0x0];
	v34 =	vshll.u32 v34, v9  }
0x155: {  	v28 =	vshll.u32 v28, v9;
	v29 =	vshll.u32 v29, v9;
	v37 =	vld [tilespmem:s17+$0xFFFFFF10];
	v34 =	vbroadcast v34, $0x0  }
0x156: {  	v27 =	vshll.u32 v27, v9;
	v31 =	vbroadcast v31, $0x0;
	v32 =	vbroadcast v32, $0x0;
	v38 =	vld [tilespmem:s17+$0xFFFFFF20]  }
0x157: {  	v33 =	vbroadcast v33, $0x0;
	v28 =	vbroadcast v28, $0x0;
	v39 =	vld [tilespmem:s17+$0xFFFFFF30];
	v40 =	vadd.s32 v23, v34  }
0x158: {  	v29 =	vbroadcast v29, $0x0;
	v34 =	vadd.s32 v24, v34;
	v41 =	vld [tilespmem:s17+$0xFFFFFF40];
	v35 =	vmul.f32 $5.656854150e+00, v35  }
0x159: {  	v27 =	vbroadcast v27, $0x0;
	v42 =	vadd.s32 v6, v30;
	v43 =	vld [tilespmem:s17+$0xFFFFFF50];
	v36 =	vmul.f32 $5.656854150e+00, v36  }
0x15a: {  	v30 =	vadd.s32 v10, v30;
	v37 =	vmul.f32 $5.656854150e+00, v37;
	v44 =	vld [tilespmem:s17+$0xFFFFFF60];
	v35 =	vadd.f32 v35, v25  }
0x15b: {  	v45 =	vadd.s32 v11, v31;
	v38 =	vmul.f32 $5.656854150e+00, v38;
	v46 =	vld [tilespmem:s17+$0xFFFFFF70];
	v36 =	vadd.f32 v36, v26  }
0x15c: {  	v31 =	vadd.s32 v12, v31;
	v37 =	vadd.f32 v37, v25;
	v39 =	vmul.f32 $5.656854150e+00, v39;
	v47 =	vld [tilespmem:s17+$0xFFFFFF80];
	[tilespmem:v40+s21+$0x0] =	vst.idx.msk $0xffff, v35  }
0x15d: {  	v40 =	vadd.s32 v13, v32;
	v35 =	vadd.f32 v38, v26;
	v38 =	vmul.f32 $5.656854150e+00, v41;
	v41 =	vld [tilespmem:s17+$0xFFFFFF90];
	[tilespmem:v34+s21+$0x0] =	vst.idx.msk $0xffff, v36  }
0x15e: {  	v32 =	vadd.s32 v14, v32;
	[tilespmem:v42+s21+$0x0] =	vst.idx.msk $0xffff, v37;
	v34 =	vadd.f32 v39, v25;
	v36 =	vmul.f32 $5.656854150e+00, v43;
	v37 =	vld [tilespmem:s17+$0xFFFFFFA0]  }
0x15f: {  	[tilespmem:v30+s21+$0x0] =	vst.idx.msk $0xffff, v35;
	v30 =	vadd.f32 v38, v26;
	v35 =	vmul.f32 $5.656854150e+00, v44;
	v38 =	vadd.s32 v15, v33;
	v39 =	vld [tilespmem:s17+$0xFFFFFFB0]  }
0x160: {  	v33 =	vadd.s32 v16, v33;
	[tilespmem:v45+s21+$0x0] =	vst.idx.msk $0xffff, v34;
	v34 =	vadd.f32 v36, v25;
	v36 =	vmul.f32 $5.656854150e+00, v46;
	v42 =	vld [tilespmem:s17+$0xFFFFFFC0]  }
0x161: {  	[tilespmem:v31+s21+$0x0] =	vst.idx.msk $0xffff, v30;
	v30 =	vadd.f32 v35, v26;
	v31 =	vmul.f32 $5.656854150e+00, v47;
	v35 =	vadd.s32 v17, v28;
	v43 =	vld [tilespmem:s17+$0xFFFFFFD0]  }
0x162: {  	v28 =	vadd.s32 v18, v28;
	[tilespmem:v40+s21+$0x0] =	vst.idx.msk $0xffff, v34;
	v34 =	vadd.f32 v36, v25;
	v36 =	vmul.f32 $5.656854150e+00, v41;
	v40 =	vld [tilespmem:s17+$0xFFFFFFE0]  }
0x163: {  	[tilespmem:v32+s21+$0x0] =	vst.idx.msk $0xffff, v30;
	v30 =	vadd.f32 v31, v26;
	v31 =	vmul.f32 $5.656854150e+00, v37;
	v32 =	vadd.s32 v19, v29  }
0x164: {  	v29 =	vadd.s32 v20, v29;
	[tilespmem:v38+s21+$0x0] =	vst.idx.msk $0xffff, v34;
	v34 =	vadd.f32 v36, v25;
	v36 =	vmul.f32 $5.656854150e+00, v39  }
0x165: {  	[tilespmem:v33+s21+$0x0] =	vst.idx.msk $0xffff, v30;
	v30 =	vadd.f32 v31, v26;
	v31 =	vmul.f32 $5.656854150e+00, v42;
	v33 =	vadd.s32 v21, v27  }
0x166: {  	v27 =	vadd.s32 v22, v27;
	[tilespmem:v35+s21+$0x0] =	vst.idx.msk $0xffff, v34;
	v34 =	vadd.f32 v36, v25;
	v35 =	vmul.f32 $5.656854150e+00, v43  }
0x167: {  	v36 =	vmov s22;
	[tilespmem:v28+s21+$0x0] =	vst.idx.msk $0xffff, v30;
	v28 =	vadd.f32 v31, v26;
	v30 =	vmul.f32 $5.656854150e+00, v40  }
0x168: {  	s23 =	sadd.s32 $0x1, s22;
	s24 =	sadd.s32 $0x2, s22;
	s25 =	sadd.s32 $0x5, s22;
	v31 =	vshrl.u32 v36, $0x3;
	[tilespmem:v32+s21+$0x0] =	vst.idx.msk $0xffff, v34;
	v32 =	vadd.f32 v35, v25  }
.Ltmp5:
0x169: {  	v34 =	vmov s23;
	v35 =	vmov s24;
	s23 =	sadd.s32 $0x3, s22;
	s24 =	sadd.s32 $0x4, s22;
	[tilespmem:v29+s21+$0x0] =	vst.idx.msk $0xffff, v28;
	v28 =	vadd.f32 v30, v26;
	(pc) =	sbr.rel @p2 .LBB2_13-.Ltmp5, $4  }
0x16a: {  	v37 =	vmov s25;
	v29 =	vmov s23;
	v36 =	vmov s24;
	s23 =	sadd.s32 $0x6, s22;
	[tilespmem:v33+s21+$0x0] =	vst.idx.msk $0xffff, v32  }
0x16b: {  	v30 =	vshll.u32 v31, v9;
	v31 =	vshrl.u32 v34, $0x3;
	v34 =	vmov s23;
	[tilespmem:v27+s21+$0x0] =	vst.idx.msk $0xffff, v28  }
0x16c: {  	v32 =	vshrl.u32 v35, $0x3;
	v33 =	vshrl.u32 v29, $0x3;
	s23 =	sadd.s32 $0x7, s22;
	v28 =	vshrl.u32 v36, $0x3  }
0x16d: {  	s17 =	sadd.s32 $0x100, s17;
	v29 =	vshrl.u32 v37, $0x3;
	s22 =	sadd.s32 $0x8, s22;
	v27 =	vshrl.u32 v34, $0x3;
	v34 =	vmov s23  }
0x16e: {  	v30 =	vbroadcast v30, $0x0;
	v31 =	vshll.u32 v31, v9;
	v35 =	vld [tilespmem:s17+$0xFFFFFFF0];
	v34 =	vshrl.u32 v34, $0x3  }
0x16f: {  	v32 =	vshll.u32 v32, v9;
	v33 =	vshll.u32 v33, v9;
	v37 =	vld [tilespmem:s17+$0xFFFFFF10];
	v34 =	vshll.u32 v34, v9  }
0x170: {  	v28 =	vshll.u32 v28, v9;
	v29 =	vshll.u32 v29, v9;
	v39 =	vld [tilespmem:s17+$0xFFFFFF30];
	v34 =	vbroadcast v34, $0x0  }
0x171: {  	v38 =	vld [tilespmem:s17+$0xFFFFFF20];
	v27 =	vshll.u32 v27, v9;
	v31 =	vbroadcast v31, $0x0;
	v32 =	vbroadcast v32, $0x0  }
0x172: {  	v43 =	vld [tilespmem:s17+$0xFFFFFF50];
	v33 =	vbroadcast v33, $0x0;
	v28 =	vbroadcast v28, $0x0;
	v40 =	vadd.s32 v23, v34  }
0x173: {  	v41 =	vld [tilespmem:s17+$0xFFFFFF40];
	v29 =	vbroadcast v29, $0x0;
	v42 =	vadd.s32 v6, v30;
	v35 =	vmul.f32 $5.656854150e+00, v35  }
0x174: {  	v46 =	vld [tilespmem:s17+$0xFFFFFF70];
	v27 =	vbroadcast v27, $0x0;
	v45 =	vadd.s32 v11, v31;
	v37 =	vmul.f32 $5.656854150e+00, v37  }
0x175: {  	v44 =	vld [tilespmem:s17+$0xFFFFFF60];
	v30 =	vadd.s32 v10, v30;
	v39 =	vmul.f32 $5.656854150e+00, v39;
	v35 =	vadd.f32 v35, v25  }
0x176: {  	v36 =	vld [tilespmem:s17+$0x0];
	v56 =	vadd.s32 v13, v32;
	v38 =	vmul.f32 $5.656854150e+00, v38;
	v37 =	vadd.f32 v37, v25  }
0x177: {  	v47 =	vld [tilespmem:s17+$0xFFFFFF80];
	v31 =	vadd.s32 v12, v31;
	v59 =	vmul.f32 $5.656854150e+00, v43;
	v58 =	vadd.f32 v39, v25;
	[tilespmem:v40+s21+$0x0] =	vst.idx.msk $0xffff, v35  }
0x178: {  	v57 =	vld [tilespmem:s17+$0xFFFFFF90];
	v62 =	vadd.s32 v15, v33;
	v55 =	vmul.f32 $5.656854150e+00, v41;
	v54 =	vadd.f32 v38, v26;
	[tilespmem:v42+s21+$0x0] =	vst.idx.msk $0xffff, v37  }
0x179: {  	v60 =	vld [tilespmem:s17+$0xFFFFFFA0];
	v32 =	vadd.s32 v14, v32;
	v49 =	vmul.f32 $5.656854150e+00, v46;
	v48 =	vadd.f32 v59, v25;
	[tilespmem:v45+s21+$0x0] =	vst.idx.msk $0xffff, v58  }
0x17a: {  	v63 =	vld [tilespmem:s17+$0xFFFFFFB0];
	v34 =	vadd.s32 v24, v34;
	v61 =	vmul.f32 $5.656854150e+00, v44;
	[tilespmem:v30+s21+$0x0] =	vst.idx.msk $0xffff, v54;
	v30 =	vadd.f32 v55, v26  }
0x17b: {  	v52 =	vld [tilespmem:s17+$0xFFFFFFD0];
	v33 =	vadd.s32 v16, v33;
	v36 =	vmul.f32 $5.656854150e+00, v36;
	v53 =	vadd.f32 v49, v25;
	[tilespmem:v56+s21+$0x0] =	vst.idx.msk $0xffff, v48  }
0x17c: {  	v50 =	vld [tilespmem:s17+$0xFFFFFFC0];
	v51 =	vadd.s32 v17, v28;
	[tilespmem:v31+s21+$0x0] =	vst.idx.msk $0xffff, v30;
	v30 =	vadd.f32 v61, v26;
	v31 =	vmul.f32 $5.656854150e+00, v47  }
0x17d: {  	v28 =	vadd.s32 v18, v28;
	v36 =	vadd.f32 v36, v26;
	[tilespmem:v62+s21+$0x0] =	vst.idx.msk $0xffff, v53;
	v54 =	vmul.f32 $5.656854150e+00, v57;
	v55 =	vld [tilespmem:s17+$0xFFFFFFE0]  }
0x17e: {  	v56 =	vadd.s32 v19, v29;
	[tilespmem:v32+s21+$0x0] =	vst.idx.msk $0xffff, v30;
	v30 =	vadd.f32 v31, v26;
	v31 =	vmul.f32 $5.656854150e+00, v60  }
0x17f: {  	v59 =	vadd.s32 v21, v27;
	v58 =	vmul.f32 $5.656854150e+00, v63;
	[tilespmem:v34+s21+$0x0] =	vst.idx.msk $0xffff, v36;
	v57 =	vadd.f32 v54, v25  }
0x180: {  	v29 =	vadd.s32 v20, v29;
	v61 =	vmul.f32 $5.656854150e+00, v52;
	[tilespmem:v33+s21+$0x0] =	vst.idx.msk $0xffff, v30;
	v30 =	vadd.f32 v31, v26  }
0x181: {  	v27 =	vadd.s32 v22, v27;
	[tilespmem:v51+s21+$0x0] =	vst.idx.msk $0xffff, v57;
	v60 =	vadd.f32 v58, v25;
	v31 =	vmul.f32 $5.656854150e+00, v50  }
0x182: {  	v25 =	vadd.f32 v61, v25;
	[tilespmem:v28+s21+$0x0] =	vst.idx.msk $0xffff, v30;
	v30 =	vmul.f32 $5.656854150e+00, v55  }
0x183: {  	[tilespmem:v56+s21+$0x0] =	vst.idx.msk $0xffff, v60;
	v28 =	vadd.f32 v31, v26  }
0x184: {  	s15 =	sadd.s32 $0x4, s15;
	[tilespmem:v59+s21+$0x0] =	vst.idx.msk $0xffff, v25;
	v26 =	vadd.f32 v30, v26  }
0x185: {  	s22 =	simm.s32 $0x3;
	s24 =	simm.s32 $0x5;
	s25 =	simm.s32 $0x6;
	[tilespmem:v29+s21+$0x0] =	vst.idx.msk $0xffff, v28  }
0x186: {  	s26 =	simm.s32 $0x7;
	s17 =	sadd.s32 @!p1 $0x6900, s16;
	[tilespmem:v27+s21+$0x0] =	vst.idx.msk $0xffff, v26;
	s21 =	simm.s32 @!p1 $0x80  }
0x187: {  	v62 =	vmov s24;
	[tilespmem:s20], [sflag:s19] =	stream.indirect.gather @!p1 [hbm4b:s3+s21], $0x20, s17, s21, $0xb8;
	[tilespmem:$0x1E900] =	vst v63  }
0x188: {  	s23 =	simm.s32 $0x4;
	v63 =	vmov s25;
	v34 =	vmov s26;
	v28 =	vmov s22;
	s19 =	simm.s32 $0x0;
	_ =	swait.ge [sflag:s15], $0x1000  }
0x189: {  	v29 =	vmov s23;
	v33 =	vshrl.u32 v28, $0x3;
	v25 =	vmov s19;
	[sflag:s15] =	ssyncset.done $0x0  }
0x18a: {  	v28 =	vshrl.u32 v29, $0x3;
	v29 =	vshrl.u32 v62, $0x3;
	s20 =	simm.s32 $0x1;
	s21 =	simm.s32 $0x2;
	v25 =	vshrl.u32 v25, $0x3;
	[sflag:s15] =	ssyncadd.s32 $0xFFFFF000  }
0x18b: {  	v26 =	vmov s20;
	v27 =	vmov s21;
	v30 =	vshll.u32 v25, v9;
	v25 =	vld [tilespmem:s13+$0xC860]  }
0x18c: {  	s14 =	sadd.s32 $0x19400, s14;
	s17 =	simm.s32 $0x8;
	v31 =	vshrl.u32 v26, $0x3;
	v32 =	vshrl.u32 v27, $0x3;
	v27 =	vshrl.u32 v63, $0x3;
	v26 =	vld [tilespmem:s13+$0xC870];
	s13 =	sadd.s32 $0x11100, s18  }
.LBB2_15:
0x18d: {  	p2 =	slt.u32 s17, $0x78;
	v30 =	vbroadcast v30, $0x0;
	v31 =	vshll.u32 v31, v9;
	v35 =	vld [tilespmem:s12+$0xFFFFFFF0];
	v34 =	vshrl.u32 v34, $0x3  }
0x18e: {  	v32 =	vshll.u32 v32, v9;
	v33 =	vshll.u32 v33, v9;
	v36 =	vld [tilespmem:s12+$0x0];
	v34 =	vshll.u32 v34, v9  }
0x18f: {  	v28 =	vshll.u32 v28, v9;
	v29 =	vshll.u32 v29, v9;
	v37 =	vld [tilespmem:s12+$0xFFFFFF10];
	v34 =	vbroadcast v34, $0x0  }
0x190: {  	v27 =	vshll.u32 v27, v9;
	v31 =	vbroadcast v31, $0x0;
	v32 =	vbroadcast v32, $0x0;
	v38 =	vld [tilespmem:s12+$0xFFFFFF20]  }
0x191: {  	v33 =	vbroadcast v33, $0x0;
	v28 =	vbroadcast v28, $0x0;
	v39 =	vld [tilespmem:s12+$0xFFFFFF30];
	v40 =	vadd.s32 v23, v34  }
0x192: {  	v29 =	vbroadcast v29, $0x0;
	v34 =	vadd.s32 v24, v34;
	v41 =	vld [tilespmem:s12+$0xFFFFFF40];
	v35 =	vmul.f32 $5.656854150e+00, v35  }
0x193: {  	v27 =	vbroadcast v27, $0x0;
	v42 =	vadd.s32 v6, v30;
	v43 =	vld [tilespmem:s12+$0xFFFFFF50];
	v36 =	vmul.f32 $5.656854150e+00, v36  }
0x194: {  	v30 =	vadd.s32 v10, v30;
	v37 =	vmul.f32 $5.656854150e+00, v37;
	v44 =	vld [tilespmem:s12+$0xFFFFFF60];
	v35 =	vadd.f32 v35, v25  }
0x195: {  	v45 =	vadd.s32 v11, v31;
	v38 =	vmul.f32 $5.656854150e+00, v38;
	v46 =	vld [tilespmem:s12+$0xFFFFFF70];
	v36 =	vadd.f32 v36, v26  }
0x196: {  	v31 =	vadd.s32 v12, v31;
	v37 =	vadd.f32 v37, v25;
	v39 =	vmul.f32 $5.656854150e+00, v39;
	v47 =	vld [tilespmem:s12+$0xFFFFFF80];
	[tilespmem:v40+s14+$0x0] =	vst.idx.msk $0xffff, v35  }
0x197: {  	v40 =	vadd.s32 v13, v32;
	v35 =	vadd.f32 v38, v26;
	v38 =	vmul.f32 $5.656854150e+00, v41;
	v41 =	vld [tilespmem:s12+$0xFFFFFF90];
	[tilespmem:v34+s14+$0x0] =	vst.idx.msk $0xffff, v36  }
0x198: {  	v32 =	vadd.s32 v14, v32;
	[tilespmem:v42+s14+$0x0] =	vst.idx.msk $0xffff, v37;
	v34 =	vadd.f32 v39, v25;
	v36 =	vmul.f32 $5.656854150e+00, v43;
	v37 =	vld [tilespmem:s12+$0xFFFFFFA0]  }
0x199: {  	[tilespmem:v30+s14+$0x0] =	vst.idx.msk $0xffff, v35;
	v30 =	vadd.f32 v38, v26;
	v35 =	vmul.f32 $5.656854150e+00, v44;
	v38 =	vadd.s32 v15, v33;
	v39 =	vld [tilespmem:s12+$0xFFFFFFB0]  }
0x19a: {  	v33 =	vadd.s32 v16, v33;
	[tilespmem:v45+s14+$0x0] =	vst.idx.msk $0xffff, v34;
	v34 =	vadd.f32 v36, v25;
	v36 =	vmul.f32 $5.656854150e+00, v46;
	v42 =	vld [tilespmem:s12+$0xFFFFFFC0]  }
0x19b: {  	[tilespmem:v31+s14+$0x0] =	vst.idx.msk $0xffff, v30;
	v30 =	vadd.f32 v35, v26;
	v31 =	vmul.f32 $5.656854150e+00, v47;
	v35 =	vadd.s32 v17, v28;
	v43 =	vld [tilespmem:s12+$0xFFFFFFD0]  }
0x19c: {  	v28 =	vadd.s32 v18, v28;
	[tilespmem:v40+s14+$0x0] =	vst.idx.msk $0xffff, v34;
	v34 =	vadd.f32 v36, v25;
	v36 =	vmul.f32 $5.656854150e+00, v41;
	v40 =	vld [tilespmem:s12+$0xFFFFFFE0]  }
0x19d: {  	[tilespmem:v32+s14+$0x0] =	vst.idx.msk $0xffff, v30;
	v30 =	vadd.f32 v31, v26;
	v31 =	vmul.f32 $5.656854150e+00, v37;
	v32 =	vadd.s32 v19, v29  }
0x19e: {  	v29 =	vadd.s32 v20, v29;
	[tilespmem:v38+s14+$0x0] =	vst.idx.msk $0xffff, v34;
	v34 =	vadd.f32 v36, v25;
	v36 =	vmul.f32 $5.656854150e+00, v39  }
0x19f: {  	[tilespmem:v33+s14+$0x0] =	vst.idx.msk $0xffff, v30;
	v30 =	vadd.f32 v31, v26;
	v31 =	vmul.f32 $5.656854150e+00, v42;
	v33 =	vadd.s32 v21, v27  }
0x1a0: {  	v27 =	vadd.s32 v22, v27;
	[tilespmem:v35+s14+$0x0] =	vst.idx.msk $0xffff, v34;
	v34 =	vadd.f32 v36, v25;
	v35 =	vmul.f32 $5.656854150e+00, v43  }
0x1a1: {  	v36 =	vmov s17;
	[tilespmem:v28+s14+$0x0] =	vst.idx.msk $0xffff, v30;
	v28 =	vadd.f32 v31, v26;
	v30 =	vmul.f32 $5.656854150e+00, v40  }
0x1a2: {  	s18 =	sadd.s32 $0x1, s17;
	s19 =	sadd.s32 $0x2, s17;
	s20 =	sadd.s32 $0x5, s17;
	v31 =	vshrl.u32 v36, $0x3;
	[tilespmem:v32+s14+$0x0] =	vst.idx.msk $0xffff, v34;
	v32 =	vadd.f32 v35, v25  }
.Ltmp6:
0x1a3: {  	v34 =	vmov s18;
	v35 =	vmov s19;
	s18 =	sadd.s32 $0x3, s17;
	s19 =	sadd.s32 $0x4, s17;
	[tilespmem:v29+s14+$0x0] =	vst.idx.msk $0xffff, v28;
	v28 =	vadd.f32 v30, v26;
	(pc) =	sbr.rel @p2 .LBB2_15-.Ltmp6, $4  }
0x1a4: {  	v37 =	vmov s20;
	v29 =	vmov s18;
	v36 =	vmov s19;
	s18 =	sadd.s32 $0x6, s17;
	[tilespmem:v33+s14+$0x0] =	vst.idx.msk $0xffff, v32  }
0x1a5: {  	v30 =	vshll.u32 v31, v9;
	v31 =	vshrl.u32 v34, $0x3;
	v34 =	vmov s18;
	[tilespmem:v27+s14+$0x0] =	vst.idx.msk $0xffff, v28  }
0x1a6: {  	v32 =	vshrl.u32 v35, $0x3;
	v33 =	vshrl.u32 v29, $0x3;
	s18 =	sadd.s32 $0x7, s17;
	v28 =	vshrl.u32 v36, $0x3  }
0x1a7: {  	s12 =	sadd.s32 $0x100, s12;
	v29 =	vshrl.u32 v37, $0x3;
	s17 =	sadd.s32 $0x8, s17;
	v27 =	vshrl.u32 v34, $0x3;
	v34 =	vmov s18  }
0x1a8: {  	v30 =	vbroadcast v30, $0x0;
	v35 =	vld [tilespmem:s12+$0xFFFFFFF0]  }
0x1a9: {  	v31 =	vshll.u32 v31, v9;
	v34 =	vshrl.u32 v34, $0x3;
	v32 =	vshll.u32 v32, v9;
	v36 =	vld [tilespmem:s12+$0x0]  }
0x1aa: {  	v33 =	vshll.u32 v33, v9;
	v37 =	vld [tilespmem:s12+$0xFFFFFF10];
	v28 =	vshll.u32 v28, v9;
	v34 =	vshll.u32 v34, v9  }
0x1ab: {  	v29 =	vshll.u32 v29, v9;
	v39 =	vld [tilespmem:s12+$0xFFFFFF30];
	v31 =	vbroadcast v31, $0x0;
	v34 =	vbroadcast v34, $0x0  }
0x1ac: {  	v27 =	vshll.u32 v27, v9;
	v43 =	vld [tilespmem:s12+$0xFFFFFF50];
	v32 =	vbroadcast v32, $0x0;
	v33 =	vbroadcast v33, $0x0  }
0x1ad: {  	v46 =	vld [tilespmem:s12+$0xFFFFFF70];
	v28 =	vbroadcast v28, $0x0;
	v29 =	vbroadcast v29, $0x0;
	v40 =	vadd.s32 v23, v34  }
0x1ae: {  	v38 =	vld [tilespmem:s12+$0xFFFFFF20];
	v42 =	vadd.s32 v6, v30;
	v30 =	vadd.s32 v10, v30;
	v35 =	vmul.f32 $5.656854150e+00, v35  }
0x1af: {  	v41 =	vld [tilespmem:s12+$0xFFFFFF40];
	v45 =	vadd.s32 v11, v31;
	v31 =	vadd.s32 v12, v31;
	v37 =	vmul.f32 $5.656854150e+00, v37  }
0x1b0: {  	v44 =	vld [tilespmem:s12+$0xFFFFFF60];
	v52 =	vadd.s32 v13, v32;
	v39 =	vmul.f32 $5.656854150e+00, v39;
	v35 =	vadd.f32 v35, v25  }
0x1b1: {  	v47 =	vld [tilespmem:s12+$0xFFFFFF80];
	v59 =	vadd.s32 v15, v33;
	v55 =	vmul.f32 $5.656854150e+00, v43;
	v37 =	vadd.f32 v37, v25  }
0x1b2: {  	v53 =	vld [tilespmem:s12+$0xFFFFFF90];
	v34 =	vadd.s32 v24, v34;
	v62 =	vmul.f32 $5.656854150e+00, v46;
	v54 =	vadd.f32 v39, v25;
	[tilespmem:v40+s14+$0x0] =	vst.idx.msk $0xffff, v35  }
0x1b3: {  	v56 =	vld [tilespmem:s12+$0xFFFFFFA0];
	v32 =	vadd.s32 v14, v32;
	v36 =	vmul.f32 $5.656854150e+00, v36;
	v61 =	vadd.f32 v55, v25;
	[tilespmem:v42+s14+$0x0] =	vst.idx.msk $0xffff, v37  }
0x1b4: {  	v60 =	vld [tilespmem:s12+$0xFFFFFFB0];
	v33 =	vadd.s32 v16, v33;
	v38 =	vmul.f32 $5.656854150e+00, v38;
	v49 =	vadd.f32 v62, v25;
	[tilespmem:v45+s14+$0x0] =	vst.idx.msk $0xffff, v54  }
0x1b5: {  	v48 =	vld [tilespmem:s12+$0xFFFFFFD0];
	v51 =	vmul.f32 $5.656854150e+00, v41;
	v58 =	vmul.f32 $5.656854150e+00, v44;
	v36 =	vadd.f32 v36, v26;
	[tilespmem:v52+s14+$0x0] =	vst.idx.msk $0xffff, v61  }
0x1b6: {  	v46 =	vmul.f32 $5.656854150e+00, v47;
	v47 =	vadd.s32 v17, v28;
	v50 =	vadd.f32 v38, v26;
	[tilespmem:v59+s14+$0x0] =	vst.idx.msk $0xffff, v49  }
0x1b7: {  	v63 =	vld [tilespmem:s12+$0xFFFFFFC0];
	v27 =	vbroadcast v27, $0x0;
	v57 =	vadd.f32 v51, v26;
	v45 =	vadd.f32 v58, v26;
	[tilespmem:v34+s14+$0x0] =	vst.idx.msk $0xffff, v36  }
0x1b8: {  	v51 =	vld [tilespmem:s12+$0xFFFFFFE0];
	v52 =	vadd.f32 v46, v26;
	v54 =	vadd.s32 v19, v29;
	[tilespmem:v30+s14+$0x0] =	vst.idx.msk $0xffff, v50;
	v50 =	vmul.f32 $5.656854150e+00, v53  }
0x1b9: {  	v59 =	vadd.s32 v21, v27;
	[tilespmem:v31+s14+$0x0] =	vst.idx.msk $0xffff, v57;
	v53 =	vmul.f32 $5.656854150e+00, v56;
	v56 =	vmul.f32 $5.656854150e+00, v60  }
0x1ba: {  	v28 =	vadd.s32 v18, v28;
	v61 =	vmul.f32 $5.656854150e+00, v48;
	[tilespmem:v32+s14+$0x0] =	vst.idx.msk $0xffff, v45;
	v55 =	vadd.f32 v50, v25  }
0x1bb: {  	v29 =	vadd.s32 v20, v29;
	[tilespmem:v33+s14+$0x0] =	vst.idx.msk $0xffff, v52;
	v60 =	vadd.f32 v56, v25  }
0x1bc: {  	v58 =	vmul.f32 $5.656854150e+00, v63;
	v27 =	vadd.s32 v22, v27;
	v25 =	vadd.f32 v61, v25;
	[tilespmem:v47+s14+$0x0] =	vst.idx.msk $0xffff, v55  }
0x1bd: {  	v57 =	vadd.f32 v53, v26;
	v63 =	vmul.f32 $5.656854150e+00, v51;
	[tilespmem:v54+s14+$0x0] =	vst.idx.msk $0xffff, v60  }
0x1be: {  	v62 =	vadd.f32 v58, v26;
	[tilespmem:v59+s14+$0x0] =	vst.idx.msk $0xffff, v25  }
0x1bf: {  	v26 =	vadd.f32 v63, v26;
	[tilespmem:v28+s14+$0x0] =	vst.idx.msk $0xffff, v57  }
0x1c0: {  	[tilespmem:v29+s14+$0x0] =	vst.idx.msk $0xffff, v62  }
0x1c1: {  	s12 =	sadd.s32 @!p1 $0x6980, s16;
	[tilespmem:v27+s14+$0x0] =	vst.idx.msk $0xffff, v26;
	s14 =	simm.s32 @!p1 $0x80  }
0x1c2: {  	[tilespmem:s13], [sflag:s15] =	stream.indirect.gather @!p1 [hbm4b:s3+s14], $0x20, s12, s14, $0xb8;
	[tilespmem:$0x1E900] =	vst v63  }
0x1c3: {  	s13 =	sshll.u32 s1, $0x10  }
0x1c4: {  	s15 =	sadd.s32 $0x0, s10;
	s12 =	sadd.s32 s13, s6  }
0x1c5: {  	[hbm4b:s12+s2] =	stream.linear.scatter [tilespmem:s15], [sflag:s0], $0x80, $0x38;
	[tilespmem:$0x1E900] =	vst v63  }
0x1c6: {  	s14 =	sadd.s32 $0x88, s15;
	s16 =	sadd.s32 $0x10, s12  }
0x1c7: {  	[hbm4b:s16+s2] =	stream.linear.scatter [tilespmem:s14], [sflag:s0], $0x80, $0x38;
	[tilespmem:$0x1E900] =	vst v63  }
0x1c8: {  	s17 =	sadd.s32 $0x110, s15;
	s19 =	sadd.s32 $0x198, s15;
	s18 =	sadd.s32 $0x20, s12  }
0x1c9: {  	[hbm4b:s18+s2] =	stream.linear.scatter [tilespmem:s17], [sflag:s0], $0x80, $0x38;
	[tilespmem:$0x1E900] =	vst v63  }
0x1ca: {  	s21 =	sadd.s32 $0x220, s15;
	s23 =	sadd.s32 $0x2A8, s15;
	s20 =	sadd.s32 $0x30, s12  }
0x1cb: {  	[hbm4b:s20+s2] =	stream.linear.scatter [tilespmem:s19], [sflag:s0], $0x80, $0x38;
	[tilespmem:$0x1E900] =	vst v63  }
0x1cc: {  	s25 =	sadd.s32 $0x330, s15;
	s13 =	simm.s32 $0x440;
	s22 =	sadd.s32 $0x40, s12  }
0x1cd: {  	[hbm4b:s22+s2] =	stream.linear.scatter [tilespmem:s21], [sflag:s0], $0x80, $0x38;
	[tilespmem:$0x1E900] =	vst v63  }
0x1ce: {  	s24 =	sadd.s32 $0x50, s12;
	s26 =	sadd.s32 $0x60, s12;
	s15 =	sadd.s32 $0x3B8, s15  }
0x1cf: {  	[hbm4b:s24+s2] =	stream.linear.scatter [tilespmem:s23], [sflag:s0], $0x80, $0x38;
	[tilespmem:$0x1E900] =	vst v63  }
0x1d0: {  	s14 =	simm.s32 $0x2200;
	s16 =	sadd.s32 $0x70, s12;
	s12 =	sadd.s32 $0x1000, s12  }
0x1d1: {  	[hbm4b:s26+s2] =	stream.linear.scatter [tilespmem:s25], [sflag:s0], $0x80, $0x38;
	[tilespmem:$0x1E900] =	vst v63  }
.LBB2_17:
0x1d2: {  	[hbm4b:s16+s2] =	stream.linear.scatter [tilespmem:s15], [sflag:s0], $0x80, $0x38;
	[tilespmem:$0x1E900] =	vst v63  }
0x1d3: {  	s15 =	smov.u32 s14  }
0x1d4: {  	s17 =	sadd.s32 $0x1100, s14;
	s16 =	sadd.s32 s13, s10;
	s13 =	sshra.s32 s15, $0x2  }
0x1d5: {  	[hbm4b:s12+s2] =	stream.linear.scatter [tilespmem:s16], [sflag:s0], $0x80, $0x38;
	[tilespmem:$0x1E900] =	vst v63  }
0x1d6: {  	p1 =	sne.s32 s14, $0xFF00;
	s14 =	sadd.s32 $0x88, s16;
	s15 =	sadd.s32 $0x10, s12  }
0x1d7: {  	[hbm4b:s15+s2] =	stream.linear.scatter [tilespmem:s14], [sflag:s0], $0x80, $0x38;
	[tilespmem:$0x1E900] =	vst v63  }
0x1d8: {  	s14 =	sadd.s32 $0x110, s16;
	s15 =	sadd.s32 $0x20, s12  }
0x1d9: {  	[hbm4b:s15+s2] =	stream.linear.scatter [tilespmem:s14], [sflag:s0], $0x80, $0x38;
	[tilespmem:$0x1E900] =	vst v63  }
0x1da: {  	s14 =	sadd.s32 $0x198, s16;
	s15 =	sadd.s32 $0x30, s12  }
0x1db: {  	[hbm4b:s15+s2] =	stream.linear.scatter [tilespmem:s14], [sflag:s0], $0x80, $0x38;
	[tilespmem:$0x1E900] =	vst v63  }
0x1dc: {  	s14 =	sadd.s32 $0x220, s16;
	s15 =	sadd.s32 $0x40, s12  }
0x1dd: {  	[hbm4b:s15+s2] =	stream.linear.scatter [tilespmem:s14], [sflag:s0], $0x80, $0x38;
	[tilespmem:$0x1E900] =	vst v63  }
0x1de: {  	s14 =	sadd.s32 $0x2A8, s16;
	s15 =	sadd.s32 $0x50, s12  }
0x1df: {  	[hbm4b:s15+s2] =	stream.linear.scatter [tilespmem:s14], [sflag:s0], $0x80, $0x38;
	[tilespmem:$0x1E900] =	vst v63  }
.Ltmp7:
0x1e0: {  	_ = 	snop;
	(pc) =	sbr.rel @p1 .LBB2_17-.Ltmp7, $4  }
0x1e1: {  	s14 =	sadd.s32 $0x330, s16;
	s15 =	sadd.s32 $0x60, s12  }
0x1e2: {  	[hbm4b:s15+s2] =	stream.linear.scatter [tilespmem:s14], [sflag:s0], $0x80, $0x38;
	[tilespmem:$0x1E900] =	vst v63  }
0x1e3: {  	s15 =	sadd.s32 $0x3B8, s16  }
0x1e4: {  	s16 =	sadd.s32 $0x70, s12;
	s12 =	sadd.s32 $0x1000, s12;
	s14 =	smov.u32 s17  }
0x1e5: {  	[hbm4b:s16+s2] =	stream.linear.scatter [tilespmem:s15], [sflag:s0], $0x80, $0x38;
	[tilespmem:$0x1E900] =	vst v63  }
0x1e6: {  	s10 =	sadd.s32 s13, s10  }
0x1e7: {  	[hbm4b:s12+s2] =	stream.linear.scatter [tilespmem:s10], [sflag:s0], $0x80, $0x38;
	[tilespmem:$0x1E900] =	vst v63  }
0x1e8: {  	s14 =	sadd.s32 $0x10, s12;
	s13 =	sadd.s32 $0x88, s10  }
0x1e9: {  	[hbm4b:s14+s2] =	stream.linear.scatter [tilespmem:s13], [sflag:s0], $0x80, $0x38;
	[tilespmem:$0x1E900] =	vst v63  }
0x1ea: {  	s17 =	sadd.s32 $0x20, s12;
	s16 =	sadd.s32 $0x110, s10  }
0x1eb: {  	[hbm4b:s17+s2] =	stream.linear.scatter [tilespmem:s16], [sflag:s0], $0x80, $0x38;
	[tilespmem:$0x1E900] =	vst v63  }
0x1ec: {  	s19 =	sadd.s32 $0x30, s12;
	s18 =	sadd.s32 $0x198, s10  }
0x1ed: {  	[hbm4b:s19+s2] =	stream.linear.scatter [tilespmem:s18], [sflag:s0], $0x80, $0x38;
	[tilespmem:$0x1E900] =	vst v63  }
0x1ee: {  	s21 =	sadd.s32 $0x40, s12;
	s1 =	sadd.s32 $0x1, s1;
	s20 =	sadd.s32 $0x220, s10  }
0x1ef: {  	[hbm4b:s21+s2] =	stream.linear.scatter [tilespmem:s20], [sflag:s0], $0x80, $0x38;
	[tilespmem:$0x1E900] =	vst v63  }
0x1f0: {  	s23 =	sadd.s32 $0x50, s12;
	s22 =	sadd.s32 $0x2A8, s10;
	p1 =	sne.s32 s1, $0x32  }
0x1f1: {  	[hbm4b:s23+s2] =	stream.linear.scatter [tilespmem:s22], [sflag:s0], $0x80, $0x38;
	[tilespmem:$0x1E900] =	vst v63  }
.Ltmp8:
0x1f2: {  	_ = 	snop;
	(pc) =	sbr.rel @p1 .LBB2_8-.Ltmp8, $4  }
0x1f3: {  	s25 =	sadd.s32 $0x60, s12;
	s24 =	sadd.s32 $0x330, s10  }
0x1f4: {  	[hbm4b:s25+s2] =	stream.linear.scatter [tilespmem:s24], [sflag:s0], $0x80, $0x38;
	[tilespmem:$0x1E900] =	vst v63  }
0x1f5: {  	s26 =	sadd.s32 $0x70, s12;
	p0 =	por !p0, !p0;
	s10 =	sadd.s32 $0x3B8, s10  }
0x1f6: {  	[hbm4b:s26+s2] =	stream.linear.scatter [tilespmem:s10], [sflag:s0], $0x80, $0x38;
	[tilespmem:$0x1E900] =	vst v63  }
0x1f7: {  	s31 =	sadd.s32 $0x1, s31  }
0x1f8: {  	_ =	swait.ge [sflag:s29], $0x4000;
	p0 =	sne.s32 s31, s8  }
.Ltmp9:
0x1f9: {  	[sflag:s29] =	ssyncset.done $0x0;
	(pc) =	sbr.rel @p0 .LBB2_1-.Ltmp9, $4  }
0x1fa: {  	[sflag:s29] =	ssyncadd.s32 $0xFFFFC000  }
0x1fb: {  	_ =	swait.ge [sflag:s30], $0x4000  }
0x1fc: {  	[sflag:s30] =	ssyncset.done $0x0  }
0x1fd: {  	[sflag:s30] =	ssyncadd.s32 $0xFFFFC000  }
0x1fe: {  	_ =	sfence.sel $0x180000  }
0x1ff: {  	[bflag:$0x0] =	sbarrier.arrive $0xFFFF  }
0x200: {  	_ =	strace $0x90000047  }
0x201: {  	s0 =	stileid.u32;
	[bflag:$0x2] =	sbarrier.arrive $0xFFFF  }
0x202: {  	p0 =	sne.s32 s0, $0x0;
	s0 =	rddreg [dreg:$0x2]  }
0x203: {  	s0 =	sadd.s32 @!p0 $0x100000, s0  }
0x204: {  	[sflag:s0] =	ssyncadd.tile.s32 @!p0 $0x1;
	_ =	shalt  }
.Lfunc_end2:
_tile_overlayer_lowered:
.L_overlay_start_2:
0x205: {  	(tag) =	ssettag $0x2  }
0x206: {  	s0 =	rddreg [dreg:$0x0];
	s2 =	stileid.u32  }
0x207: {  	s1 =	rddreg [dreg:$0x1];
	p0 =	sne.s32 s2, $0x0  }
0x208: {  	s3 =	rddreg [dreg:$0x2];
	[bflag:$0x3] =	sbarrier.arrive $0xFFFF;
	s2 =	simm.s32 @!p0 $0x1C0B  }
0x209: {  	[timem:s3], [sflag:s2] =	dma.local @!p0 [hbm:s0], s1  }
0x20a: {  	s0 =	simm.s32 @!p0 $0xB  }
0x20b: {  	_ =	swait.ge @!p0 [sflag:s0], s1  }
0x20c: {  	s1 =	ssub.s32 @!p0 $0x0, s1;
	[sflag:s0] =	ssyncset.done @!p0 $0x0  }
0x20d: {  	[sflag:s0] =	ssyncadd.s32 @!p0 s1  }
0x20e: {  	[bflag:$0x3] =	sbarrier.arrive $0xFFFF  }
0x20f: {  	_ =	shalt  }

</sc_bundles>
